<compile_context>
chip_gen: v7x
topology: tpu7x:2x2x1
jax: 0.10.2.dev20260603
libtpu: 0.0.44.dev20260713+nightly
codegen_flags: <defaults>
</compile_context>

<pallas_src>
import functools

import jax
import jax.numpy as jnp
from jax import lax
from jax.experimental import pallas as pl
from jax.experimental.pallas import tpu as pltpu
from jax.experimental.pallas import tpu_sc as plsc

N = 49152
H = 64
NUM_MOD = 3
CHUNK = N // NUM_MOD

NC = 2
NS = 16
NW = NC * NS
PER_W = N // NW
CH = 128
NCH = PER_W // CH

NP = N // 2
PRB = 8192


_NBT = NP // PRB


def _pick_w(e, w0, w1, w2):
    return jnp.where(e == 0, w0, jnp.where(e == 1, w1, w2))


def _mm_body(xta_ref, xtb_ref, w0_ref, w1_ref, w2_ref, o_ref):
    b = pl.program_id(0)
    wa = _pick_w(b * PRB // CHUNK, w0_ref[...], w1_ref[...], w2_ref[...])
    wb = _pick_w((NP + b * PRB) // CHUNK, w0_ref[...], w1_ref[...],
                 w2_ref[...])
    ya = jax.lax.dot_general(
        xta_ref[...], wa, (((0,), (1,)), ((), ())),
        preferred_element_type=jnp.float32)
    yb = jax.lax.dot_general(
        xtb_ref[...], wb, (((0,), (1,)), ((), ())),
        preferred_element_type=jnp.float32)
    o_ref[:, 0:H] = ya
    o_ref[:, H:2 * H] = yb


def _expert_matmul(xt, w0, w1, w2):
    wspec = pl.BlockSpec((H, H), lambda b: (0, 0))
    return pl.pallas_call(
        _mm_body,
        grid=(_NBT,),
        in_specs=[
            pl.BlockSpec((H, PRB), lambda b: (0, b)),
            pl.BlockSpec((H, PRB), lambda b: (0, b + _NBT)),
            wspec, wspec, wspec,
        ],
        out_specs=pl.BlockSpec((PRB, 2 * H), lambda b: (b, 0)),
        out_shape=jax.ShapeDtypeStruct((NP, 2 * H), jnp.float32),
    )(xt, xt, w0, w1, w2)


_sc_mesh = plsc.VectorSubcoreMesh(core_axis_name="c", subcore_axis_name="s")


HW = PER_W // 2


@functools.partial(
    pl.kernel,
    mesh=_sc_mesh,
    compiler_params=pltpu.CompilerParams(use_tc_tiling_on_sc=False),
    out_type=jax.ShapeDtypeStruct((N,), jnp.int32),
    scratch_types=[
        pltpu.VMEM((PER_W,), jnp.int32),
        pltpu.VMEM((PER_W,), jnp.int32),
        pltpu.VMEM((PER_W,), jnp.int32),
        pltpu.VMEM((PER_W,), jnp.int32),
        pltpu.SemaphoreType.DMA,
    ],
)
def _sc_compose(perm_hbm, inv_hbm, out_hbm, riff_v, perm_v, idx_v, idxp_v,
                sem_idx):
    wid = lax.axis_index("s") * NC + lax.axis_index("c")
    base = wid * PER_W

    def _riff(k, carry):
        r = k * 16 + lax.iota(jnp.int32, 16)
        riff_v[pl.ds(k * 16, 16)] = base + HW * (r & 1) + (r >> 1)
        return carry

    lax.fori_loop(0, PER_W // 16, _riff, 0)
    perm_copies = [
        pltpu.async_copy(perm_hbm.at[riff_v.at[pl.ds(j * CH, CH)]],
                         perm_v.at[pl.ds(j * CH, CH)], sem_idx)
        for j in range(NCH)
    ]
    for c in perm_copies:
        c.wait()
    idx_copies = [
        pltpu.async_copy(inv_hbm.at[perm_v.at[pl.ds(j * CH, CH)]],
                         idx_v.at[pl.ds(j * CH, CH)], sem_idx)
        for j in range(NCH)
    ]
    for c in idx_copies:
        c.wait()

    def _remap(k, carry):
        v = idx_v[pl.ds(k * 16, 16)]
        idxp_v[pl.ds(k * 16, 16)] = jnp.where(v >= NP, 2 * v - (2 * NP - 1),
                                              2 * v)
        return carry

    lax.fori_loop(0, PER_W // 16, _remap, 0)
    pltpu.sync_copy(idxp_v, out_hbm.at[pl.ds(base, PER_W)])


@functools.partial(
    pl.kernel,
    mesh=_sc_mesh,
    compiler_params=pltpu.CompilerParams(use_tc_tiling_on_sc=False),
    out_type=jax.ShapeDtypeStruct((N, H), jnp.float32),
    scratch_types=[
        pltpu.VMEM((PER_W,), jnp.int32),
        pltpu.VMEM((PER_W, H), jnp.float32),
        pltpu.SemaphoreType.DMA,
    ],
)
def _sc_gather(idxp_hbm, y_hbm, out_hbm, idxp_v, rows_v, sem_rows):
    wid = lax.axis_index("s") * NC + lax.axis_index("c")
    pltpu.sync_copy(idxp_hbm.at[pl.ds(wid * PER_W, PER_W)], idxp_v)
    row_copies = [
        pltpu.async_copy(y_hbm.at[idxp_v.at[pl.ds(j * CH, CH)]],
                         rows_v.at[pl.ds(j * CH, CH)], sem_rows)
        for j in range(NCH)
    ]
    for c in row_copies:
        c.wait()
    pltpu.sync_copy(rows_v, out_hbm.at[pl.ds(wid * PER_W, PER_W)])


TB = 16


def _tr_body(og_ref, eye_ref, o_ref):
    eye = eye_ref[...]
    for s in range(TB):
        blk = og_ref[pl.ds(s * HW, HW), :]
        o_ref[:, s * PER_W:s * PER_W + HW] = jax.lax.dot_general(
            eye, blk[:, 0:H], (((1,), (1,)), ((), ())),
            preferred_element_type=jnp.float32)
        o_ref[:, s * PER_W + HW:(s + 1) * PER_W] = jax.lax.dot_general(
            eye, blk[:, H:2 * H], (((1,), (1,)), ((), ())),
            preferred_element_type=jnp.float32)


def _untranspose(og):
    eye = jnp.eye(H, dtype=jnp.float32)
    return pl.pallas_call(
        _tr_body,
        grid=(NW // TB,),
        in_specs=[
            pl.BlockSpec((TB * HW, 2 * H), lambda b: (b, 0)),
            pl.BlockSpec((H, H), lambda b: (0, 0)),
        ],
        out_specs=pl.BlockSpec((H, TB * PER_W), lambda b: (0, b)),
        out_shape=jax.ShapeDtypeStruct((H, N), jnp.float32),
    )(og, eye)


def kernel(x, permute_mapping, inv_permute_mapping, W0, W1, W2):
    xt = x.T
    idxp = _sc_compose(permute_mapping, inv_permute_mapping)
    yh = _expert_matmul(xt, W0, W1, W2)
    y = yh.reshape(N, H)
    og64 = _sc_gather(idxp, y)
    og = og64.reshape(NP, 2 * H)
    out_t = _untranspose(og)
    return out_t.T

# --- scband reference (transcript-rebuilt; emitter-appended) ---
"""Pipeline reference for scband-inner-block-57655640981801 (READ-ONLY COPY).

The authoritative reference and input builder live on the scoring server;
editing this copy changes nothing except your own understanding.
"""

import jax, jax.numpy as jnp
import numpy as np

N = 49152
H = 64
NUM_MOD = 3

def setup_inputs(seed: int = 0) -> dict:
    key = jax.random.key(seed)
    ks = jax.random.split(key, 6)
    x = jax.random.normal(ks[0], (N, H), dtype=jnp.float32)
    permute_mapping = jax.random.randint(ks[1], (N,), 0, N, dtype=jnp.int32)
    inv_permute_mapping = jax.random.randint(ks[2], (N,), 0, N, dtype=jnp.int32)
    scale = 1.0 / np.sqrt(H)
    W0 = jax.random.normal(ks[3], (H, H), dtype=jnp.float32) * scale
    W1 = jax.random.normal(ks[4], (H, H), dtype=jnp.float32) * scale
    W2 = jax.random.normal(ks[5], (H, H), dtype=jnp.float32) * scale
    return {"x": x, "permute_mapping": permute_mapping, "inv_permute_mapping": inv_permute_mapping, "W0": W0, "W1": W1, "W2": W2}

def reference(x, permute_mapping, inv_permute_mapping, W0, W1, W2):
    # dispatcher.dispatch: split tokens into NUM_MOD contiguous expert chunks
    chunks = jnp.split(x, NUM_MOD, axis=0)
    # per-expert nn.Linear (bias=False): c @ W.T
    outs = [chunks[0] @ W0.T, chunks[1] @ W1.T, chunks[2] @ W2.T]
    # dispatcher.undispatch: concatenate expert outputs back
    out = jnp.concatenate(outs, axis=0)
    # identity_op (clone) is a no-op numerically
    out = out[inv_permute_mapping]
    out = out[permute_mapping]
    return out

if __name__ == "__main__":
    import jax
    _d = setup_inputs()
    print(jax.jit(kernel)(*tuple(_d.values())))

</pallas_src>

<mosaic_0001>
#map = affine_map<(d0, d1) -> (0)>
#map1 = affine_map<(d0, d1) -> (0, 0)>
module attributes {stable_mosaic.version = 14 : i64} {
  func.func @_sc_gather(%arg0: i32, %arg1: i32, %arg2: memref<49152xi32, #tpu.memory_space<hbm>>, %arg3: memref<49152x64xf32, #tpu.memory_space<hbm>>, %arg4: memref<49152x64xf32, #tpu.memory_space<hbm>>, %arg5: memref<1536xi32, #tpu.memory_space<vmem>>, %arg6: memref<1536x64xf32, #tpu.memory_space<vmem>>, %arg7: memref<!tpu.dma_semaphore, #tpu.memory_space<semaphore_mem>>) attributes {dimension_semantics = [#tpu.dimension_semantics<core_parallel>, #tpu.dimension_semantics<subcore_parallel>], iteration_bounds = array<i64: 2, 16>, scalar_prefetch = 0 : i64, scratch_operands = 3 : i64, tpu.core_type = #tpu.core_type<sc_vector_subcore>, window_params = [{transform_indices = #map}, {transform_indices = #map1}, {transform_indices = #map1}]} {
    %mul3A = arith.constant 2 : i32
    %mul3A_0 = arith.muli %arg1, %mul3A : i32
    %add3A = arith.addi %mul3A_0, %arg0 : i32
    %mul3A_1 = arith.constant 1536 : i32
    %mul3A_2 = arith.muli %add3A, %mul3A_1 : i32
    "tpu.region"() ({
      %run_scoped3A = tpu.sem_alloc : memref<!tpu.dma_semaphore, #tpu.memory_space<semaphore_mem>>
      %dma_start3A_195 = tpu.memref_slice %arg2[%mul3A_2] : memref<49152xi32, #tpu.memory_space<hbm>> -> memref<1536xi32, #tpu.memory_space<hbm>>
      %dma_start3A_196 = tpu.memref_slice %arg2[%mul3A_2] : memref<49152xi32, #tpu.memory_space<hbm>> -> memref<1536xi32, #tpu.memory_space<hbm>>
      tpu.enqueue_dma source(%dma_start3A_196 : memref<1536xi32, #tpu.memory_space<hbm>>) target(%arg5 : memref<1536xi32, #tpu.memory_space<vmem>>) target_semaphore(%run_scoped3A : memref<!tpu.dma_semaphore, #tpu.memory_space<semaphore_mem>>)
      %dma_wait3A_197 = tpu.memref_slice %arg2[%mul3A_2] : memref<49152xi32, #tpu.memory_space<hbm>> -> memref<1536xi32, #tpu.memory_space<hbm>>
      %dma_wait3A_198 = tpu.memref_slice %arg2[%mul3A_2] : memref<49152xi32, #tpu.memory_space<hbm>> -> memref<1536xi32, #tpu.memory_space<hbm>>
      tpu.wait_dma2 semaphore(%run_scoped3A : memref<!tpu.dma_semaphore, #tpu.memory_space<semaphore_mem>>) src(%dma_wait3A_198 : memref<1536xi32, #tpu.memory_space<hbm>>) dst(%arg5 : memref<1536xi32, #tpu.memory_space<vmem>>)
      tpu.yield
    }) : () -> ()
    %dma_start3A = arith.constant 0 : i32
    %dma_start3A_3 = arith.constant 0 : i32
    %dma_start3A_4 = tpu.memref_slice %arg6[%dma_start3A, %dma_start3A_3] : memref<1536x64xf32, #tpu.memory_space<vmem>> -> memref<128x64xf32, #tpu.memory_space<vmem>>
    %dma_start3A_5 = arith.constant 0 : i32
    %dma_start3A_6 = tpu.memref_slice %arg5[%dma_start3A_5] : memref<1536xi32, #tpu.memory_space<vmem>> -> memref<128xi32, #tpu.memory_space<vmem>>
    %dma_start3A_7 = arith.constant 0 : i32
    %dma_start3A_8 = arith.constant 0 : i32
    %dma_start3A_9 = tpu.memref_slice %arg3[%dma_start3A_7, %dma_start3A_8] : memref<49152x64xf32, #tpu.memory_space<hbm>> -> memref<49152x64xf32, #tpu.memory_space<hbm>>
    tpu.enqueue_indirect_dma source(%dma_start3A_9 : memref<49152x64xf32, #tpu.memory_space<hbm>>) target(%dma_start3A_4 : memref<128x64xf32, #tpu.memory_space<vmem>>) offsets(%dma_start3A_6 : memref<128xi32, #tpu.memory_space<vmem>>) semaphore(%arg7 : memref<!tpu.dma_semaphore, #tpu.memory_space<semaphore_mem>>)
    %dma_start3A_10 = arith.constant 128 : i32
    %dma_start3A_11 = arith.constant 0 : i32
    %dma_start3A_12 = tpu.memref_slice %arg6[%dma_start3A_10, %dma_start3A_11] : memref<1536x64xf32, #tpu.memory_space<vmem>> -> memref<128x64xf32, #tpu.memory_space<vmem>>
    %dma_start3A_13 = arith.constant 128 : i32
    %dma_start3A_14 = tpu.memref_slice %arg5[%dma_start3A_13] : memref<1536xi32, #tpu.memory_space<vmem>> -> memref<128xi32, #tpu.memory_space<vmem>>
    %dma_start3A_15 = arith.constant 0 : i32
    %dma_start3A_16 = arith.constant 0 : i32
    %dma_start3A_17 = tpu.memref_slice %arg3[%dma_start3A_15, %dma_start3A_16] : memref<49152x64xf32, #tpu.memory_space<hbm>> -> memref<49152x64xf32, #tpu.memory_space<hbm>>
    tpu.enqueue_indirect_dma source(%dma_start3A_17 : memref<49152x64xf32, #tpu.memory_space<hbm>>) target(%dma_start3A_12 : memref<128x64xf32, #tpu.memory_space<vmem>>) offsets(%dma_start3A_14 : memref<128xi32, #tpu.memory_space<vmem>>) semaphore(%arg7 : memref<!tpu.dma_semaphore, #tpu.memory_space<semaphore_mem>>)
    %dma_start3A_18 = arith.constant 256 : i32
    %dma_start3A_19 = arith.constant 0 : i32
    %dma_start3A_20 = tpu.memref_slice %arg6[%dma_start3A_18, %dma_start3A_19] : memref<1536x64xf32, #tpu.memory_space<vmem>> -> memref<128x64xf32, #tpu.memory_space<vmem>>
    %dma_start3A_21 = arith.constant 256 : i32
    %dma_start3A_22 = tpu.memref_slice %arg5[%dma_start3A_21] : memref<1536xi32, #tpu.memory_space<vmem>> -> memref<128xi32, #tpu.memory_space<vmem>>
    %dma_start3A_23 = arith.constant 0 : i32
    %dma_start3A_24 = arith.constant 0 : i32
    %dma_start3A_25 = tpu.memref_slice %arg3[%dma_start3A_23, %dma_start3A_24] : memref<49152x64xf32, #tpu.memory_space<hbm>> -> memref<49152x64xf32, #tpu.memory_space<hbm>>
    tpu.enqueue_indirect_dma source(%dma_start3A_25 : memref<49152x64xf32, #tpu.memory_space<hbm>>) target(%dma_start3A_20 : memref<128x64xf32, #tpu.memory_space<vmem>>) offsets(%dma_start3A_22 : memref<128xi32, #tpu.memory_space<vmem>>) semaphore(%arg7 : memref<!tpu.dma_semaphore, #tpu.memory_space<semaphore_mem>>)
    %dma_start3A_26 = arith.constant 384 : i32
    %dma_start3A_27 = arith.constant 0 : i32
    %dma_start3A_28 = tpu.memref_slice %arg6[%dma_start3A_26, %dma_start3A_27] : memref<1536x64xf32, #tpu.memory_space<vmem>> -> memref<128x64xf32, #tpu.memory_space<vmem>>
    %dma_start3A_29 = arith.constant 384 : i32
    %dma_start3A_30 = tpu.memref_slice %arg5[%dma_start3A_29] : memref<1536xi32, #tpu.memory_space<vmem>> -> memref<128xi32, #tpu.memory_space<vmem>>
    %dma_start3A_31 = arith.constant 0 : i32
    %dma_start3A_32 = arith.constant 0 : i32
    %dma_start3A_33 = tpu.memref_slice %arg3[%dma_start3A_31, %dma_start3A_32] : memref<49152x64xf32, #tpu.memory_space<hbm>> -> memref<49152x64xf32, #tpu.memory_space<hbm>>
    tpu.enqueue_indirect_dma source(%dma_start3A_33 : memref<49152x64xf32, #tpu.memory_space<hbm>>) target(%dma_start3A_28 : memref<128x64xf32, #tpu.memory_space<vmem>>) offsets(%dma_start3A_30 : memref<128xi32, #tpu.memory_space<vmem>>) semaphore(%arg7 : memref<!tpu.dma_semaphore, #tpu.memory_space<semaphore_mem>>)
    %dma_start3A_34 = arith.constant 512 : i32
    %dma_start3A_35 = arith.constant 0 : i32
    %dma_start3A_36 = tpu.memref_slice %arg6[%dma_start3A_34, %dma_start3A_35] : memref<1536x64xf32, #tpu.memory_space<vmem>> -> memref<128x64xf32, #tpu.memory_space<vmem>>
    %dma_start3A_37 = arith.constant 512 : i32
    %dma_start3A_38 = tpu.memref_slice %arg5[%dma_start3A_37] : memref<1536xi32, #tpu.memory_space<vmem>> -> memref<128xi32, #tpu.memory_space<vmem>>
    %dma_start3A_39 = arith.constant 0 : i32
    %dma_start3A_40 = arith.constant 0 : i32
    %dma_start3A_41 = tpu.memref_slice %arg3[%dma_start3A_39, %dma_start3A_40] : memref<49152x64xf32, #tpu.memory_space<hbm>> -> memref<49152x64xf32, #tpu.memory_space<hbm>>
    tpu.enqueue_indirect_dma source(%dma_start3A_41 : memref<49152x64xf32, #tpu.memory_space<hbm>>) target(%dma_start3A_36 : memref<128x64xf32, #tpu.memory_space<vmem>>) offsets(%dma_start3A_38 : memref<128xi32, #tpu.memory_space<vmem>>) semaphore(%arg7 : memref<!tpu.dma_semaphore, #tpu.memory_space<semaphore_mem>>)
    %dma_start3A_42 = arith.constant 640 : i32
    %dma_start3A_43 = arith.constant 0 : i32
    %dma_start3A_44 = tpu.memref_slice %arg6[%dma_start3A_42, %dma_start3A_43] : memref<1536x64xf32, #tpu.memory_space<vmem>> -> memref<128x64xf32, #tpu.memory_space<vmem>>
    %dma_start3A_45 = arith.constant 640 : i32
    %dma_start3A_46 = tpu.memref_slice %arg5[%dma_start3A_45] : memref<1536xi32, #tpu.memory_space<vmem>> -> memref<128xi32, #tpu.memory_space<vmem>>
    %dma_start3A_47 = arith.constant 0 : i32
    %dma_start3A_48 = arith.constant 0 : i32
    %dma_start3A_49 = tpu.memref_slice %arg3[%dma_start3A_47, %dma_start3A_48] : memref<49152x64xf32, #tpu.memory_space<hbm>> -> memref<49152x64xf32, #tpu.memory_space<hbm>>
    tpu.enqueue_indirect_dma source(%dma_start3A_49 : memref<49152x64xf32, #tpu.memory_space<hbm>>) target(%dma_start3A_44 : memref<128x64xf32, #tpu.memory_space<vmem>>) offsets(%dma_start3A_46 : memref<128xi32, #tpu.memory_space<vmem>>) semaphore(%arg7 : memref<!tpu.dma_semaphore, #tpu.memory_space<semaphore_mem>>)
    %dma_start3A_50 = arith.constant 768 : i32
    %dma_start3A_51 = arith.constant 0 : i32
    %dma_start3A_52 = tpu.memref_slice %arg6[%dma_start3A_50, %dma_start3A_51] : memref<1536x64xf32, #tpu.memory_space<vmem>> -> memref<128x64xf32, #tpu.memory_space<vmem>>
    %dma_start3A_53 = arith.constant 768 : i32
    %dma_start3A_54 = tpu.memref_slice %arg5[%dma_start3A_53] : memref<1536xi32, #tpu.memory_space<vmem>> -> memref<128xi32, #tpu.memory_space<vmem>>
    %dma_start3A_55 = arith.constant 0 : i32
    %dma_start3A_56 = arith.constant 0 : i32
    %dma_start3A_57 = tpu.memref_slice %arg3[%dma_start3A_55, %dma_start3A_56] : memref<49152x64xf32, #tpu.memory_space<hbm>> -> memref<49152x64xf32, #tpu.memory_space<hbm>>
    tpu.enqueue_indirect_dma source(%dma_start3A_57 : memref<49152x64xf32, #tpu.memory_space<hbm>>) target(%dma_start3A_52 : memref<128x64xf32, #tpu.memory_space<vmem>>) offsets(%dma_start3A_54 : memref<128xi32, #tpu.memory_space<vmem>>) semaphore(%arg7 : memref<!tpu.dma_semaphore, #tpu.memory_space<semaphore_mem>>)
    %dma_start3A_58 = arith.constant 896 : i32
    %dma_start3A_59 = arith.constant 0 : i32
    %dma_start3A_60 = tpu.memref_slice %arg6[%dma_start3A_58, %dma_start3A_59] : memref<1536x64xf32, #tpu.memory_space<vmem>> -> memref<128x64xf32, #tpu.memory_space<vmem>>
    %dma_start3A_61 = arith.constant 896 : i32
    %dma_start3A_62 = tpu.memref_slice %arg5[%dma_start3A_61] : memref<1536xi32, #tpu.memory_space<vmem>> -> memref<128xi32, #tpu.memory_space<vmem>>
    %dma_start3A_63 = arith.constant 0 : i32
    %dma_start3A_64 = arith.constant 0 : i32
    %dma_start3A_65 = tpu.memref_slice %arg3[%dma_start3A_63, %dma_start3A_64] : memref<49152x64xf32, #tpu.memory_space<hbm>> -> memref<49152x64xf32, #tpu.memory_space<hbm>>
    tpu.enqueue_indirect_dma source(%dma_start3A_65 : memref<49152x64xf32, #tpu.memory_space<hbm>>) target(%dma_start3A_60 : memref<128x64xf32, #tpu.memory_space<vmem>>) offsets(%dma_start3A_62 : memref<128xi32, #tpu.memory_space<vmem>>) semaphore(%arg7 : memref<!tpu.dma_semaphore, #tpu.memory_space<semaphore_mem>>)
    %dma_start3A_66 = arith.constant 1024 : i32
    %dma_start3A_67 = arith.constant 0 : i32
    %dma_start3A_68 = tpu.memref_slice %arg6[%dma_start3A_66, %dma_start3A_67] : memref<1536x64xf32, #tpu.memory_space<vmem>> -> memref<128x64xf32, #tpu.memory_space<vmem>>
    %dma_start3A_69 = arith.constant 1024 : i32
    %dma_start3A_70 = tpu.memref_slice %arg5[%dma_start3A_69] : memref<1536xi32, #tpu.memory_space<vmem>> -> memref<128xi32, #tpu.memory_space<vmem>>
    %dma_start3A_71 = arith.constant 0 : i32
    %dma_start3A_72 = arith.constant 0 : i32
    %dma_start3A_73 = tpu.memref_slice %arg3[%dma_start3A_71, %dma_start3A_72] : memref<49152x64xf32, #tpu.memory_space<hbm>> -> memref<49152x64xf32, #tpu.memory_space<hbm>>
    tpu.enqueue_indirect_dma source(%dma_start3A_73 : memref<49152x64xf32, #tpu.memory_space<hbm>>) target(%dma_start3A_68 : memref<128x64xf32, #tpu.memory_space<vmem>>) offsets(%dma_start3A_70 : memref<128xi32, #tpu.memory_space<vmem>>) semaphore(%arg7 : memref<!tpu.dma_semaphore, #tpu.memory_space<semaphore_mem>>)
    %dma_start3A_74 = arith.constant 1152 : i32
    %dma_start3A_75 = arith.constant 0 : i32
    %dma_start3A_76 = tpu.memref_slice %arg6[%dma_start3A_74, %dma_start3A_75] : memref<1536x64xf32, #tpu.memory_space<vmem>> -> memref<128x64xf32, #tpu.memory_space<vmem>>
    %dma_start3A_77 = arith.constant 1152 : i32
    %dma_start3A_78 = tpu.memref_slice %arg5[%dma_start3A_77] : memref<1536xi32, #tpu.memory_space<vmem>> -> memref<128xi32, #tpu.memory_space<vmem>>
    %dma_start3A_79 = arith.constant 0 : i32
    %dma_start3A_80 = arith.constant 0 : i32
    %dma_start3A_81 = tpu.memref_slice %arg3[%dma_start3A_79, %dma_start3A_80] : memref<49152x64xf32, #tpu.memory_space<hbm>> -> memref<49152x64xf32, #tpu.memory_space<hbm>>
    tpu.enqueue_indirect_dma source(%dma_start3A_81 : memref<49152x64xf32, #tpu.memory_space<hbm>>) target(%dma_start3A_76 : memref<128x64xf32, #tpu.memory_space<vmem>>) offsets(%dma_start3A_78 : memref<128xi32, #tpu.memory_space<vmem>>) semaphore(%arg7 : memref<!tpu.dma_semaphore, #tpu.memory_space<semaphore_mem>>)
    %dma_start3A_82 = arith.constant 1280 : i32
    %dma_start3A_83 = arith.constant 0 : i32
    %dma_start3A_84 = tpu.memref_slice %arg6[%dma_start3A_82, %dma_start3A_83] : memref<1536x64xf32, #tpu.memory_space<vmem>> -> memref<128x64xf32, #tpu.memory_space<vmem>>
    %dma_start3A_85 = arith.constant 1280 : i32
    %dma_start3A_86 = tpu.memref_slice %arg5[%dma_start3A_85] : memref<1536xi32, #tpu.memory_space<vmem>> -> memref<128xi32, #tpu.memory_space<vmem>>
    %dma_start3A_87 = arith.constant 0 : i32
    %dma_start3A_88 = arith.constant 0 : i32
    %dma_start3A_89 = tpu.memref_slice %arg3[%dma_start3A_87, %dma_start3A_88] : memref<49152x64xf32, #tpu.memory_space<hbm>> -> memref<49152x64xf32, #tpu.memory_space<hbm>>
    tpu.enqueue_indirect_dma source(%dma_start3A_89 : memref<49152x64xf32, #tpu.memory_space<hbm>>) target(%dma_start3A_84 : memref<128x64xf32, #tpu.memory_space<vmem>>) offsets(%dma_start3A_86 : memref<128xi32, #tpu.memory_space<vmem>>) semaphore(%arg7 : memref<!tpu.dma_semaphore, #tpu.memory_space<semaphore_mem>>)
    %dma_start3A_90 = arith.constant 1408 : i32
    %dma_start3A_91 = arith.constant 0 : i32
    %dma_start3A_92 = tpu.memref_slice %arg6[%dma_start3A_90, %dma_start3A_91] : memref<1536x64xf32, #tpu.memory_space<vmem>> -> memref<128x64xf32, #tpu.memory_space<vmem>>
    %dma_start3A_93 = arith.constant 1408 : i32
    %dma_start3A_94 = tpu.memref_slice %arg5[%dma_start3A_93] : memref<1536xi32, #tpu.memory_space<vmem>> -> memref<128xi32, #tpu.memory_space<vmem>>
    %dma_start3A_95 = arith.constant 0 : i32
    %dma_start3A_96 = arith.constant 0 : i32
    %dma_start3A_97 = tpu.memref_slice %arg3[%dma_start3A_95, %dma_start3A_96] : memref<49152x64xf32, #tpu.memory_space<hbm>> -> memref<49152x64xf32, #tpu.memory_space<hbm>>
    tpu.enqueue_indirect_dma source(%dma_start3A_97 : memref<49152x64xf32, #tpu.memory_space<hbm>>) target(%dma_start3A_92 : memref<128x64xf32, #tpu.memory_space<vmem>>) offsets(%dma_start3A_94 : memref<128xi32, #tpu.memory_space<vmem>>) semaphore(%arg7 : memref<!tpu.dma_semaphore, #tpu.memory_space<semaphore_mem>>)
    %dma_wait3A = arith.constant 0 : i32
    %dma_wait3A_98 = arith.constant 0 : i32
    %dma_wait3A_99 = tpu.memref_slice %arg6[%dma_wait3A, %dma_wait3A_98] : memref<1536x64xf32, #tpu.memory_space<vmem>> -> memref<128x64xf32, #tpu.memory_space<vmem>>
    %dma_wait3A_100 = arith.constant 0 : i32
    %dma_wait3A_101 = tpu.memref_slice %arg5[%dma_wait3A_100] : memref<1536xi32, #tpu.memory_space<vmem>> -> memref<128xi32, #tpu.memory_space<vmem>>
    %dma_wait3A_102 = arith.constant 0 : i32
    %dma_wait3A_103 = arith.constant 0 : i32
    %dma_wait3A_104 = tpu.memref_slice %arg3[%dma_wait3A_102, %dma_wait3A_103] : memref<49152x64xf32, #tpu.memory_space<hbm>> -> memref<49152x64xf32, #tpu.memory_space<hbm>>
    tpu.wait_indirect_dma semaphore(%arg7 : memref<!tpu.dma_semaphore, #tpu.memory_space<semaphore_mem>>) src(%dma_wait3A_104 : memref<49152x64xf32, #tpu.memory_space<hbm>>) dst(%dma_wait3A_99 : memref<128x64xf32, #tpu.memory_space<vmem>>)
    %dma_wait3A_105 = arith.constant 128 : i32
    %dma_wait3A_106 = arith.constant 0 : i32
    %dma_wait3A_107 = tpu.memref_slice %arg6[%dma_wait3A_105, %dma_wait3A_106] : memref<1536x64xf32, #tpu.memory_space<vmem>> -> memref<128x64xf32, #tpu.memory_space<vmem>>
    %dma_wait3A_108 = arith.constant 128 : i32
    %dma_wait3A_109 = tpu.memref_slice %arg5[%dma_wait3A_108] : memref<1536xi32, #tpu.memory_space<vmem>> -> memref<128xi32, #tpu.memory_space<vmem>>
    %dma_wait3A_110 = arith.constant 0 : i32
    %dma_wait3A_111 = arith.constant 0 : i32
    %dma_wait3A_112 = tpu.memref_slice %arg3[%dma_wait3A_110, %dma_wait3A_111] : memref<49152x64xf32, #tpu.memory_space<hbm>> -> memref<49152x64xf32, #tpu.memory_space<hbm>>
    tpu.wait_indirect_dma semaphore(%arg7 : memref<!tpu.dma_semaphore, #tpu.memory_space<semaphore_mem>>) src(%dma_wait3A_112 : memref<49152x64xf32, #tpu.memory_space<hbm>>) dst(%dma_wait3A_107 : memref<128x64xf32, #tpu.memory_space<vmem>>)
    %dma_wait3A_113 = arith.constant 256 : i32
    %dma_wait3A_114 = arith.constant 0 : i32
    %dma_wait3A_115 = tpu.memref_slice %arg6[%dma_wait3A_113, %dma_wait3A_114] : memref<1536x64xf32, #tpu.memory_space<vmem>> -> memref<128x64xf32, #tpu.memory_space<vmem>>
    %dma_wait3A_116 = arith.constant 256 : i32
    %dma_wait3A_117 = tpu.memref_slice %arg5[%dma_wait3A_116] : memref<1536xi32, #tpu.memory_space<vmem>> -> memref<128xi32, #tpu.memory_space<vmem>>
    %dma_wait3A_118 = arith.constant 0 : i32
    %dma_wait3A_119 = arith.constant 0 : i32
    %dma_wait3A_120 = tpu.memref_slice %arg3[%dma_wait3A_118, %dma_wait3A_119] : memref<49152x64xf32, #tpu.memory_space<hbm>> -> memref<49152x64xf32, #tpu.memory_space<hbm>>
    tpu.wait_indirect_dma semaphore(%arg7 : memref<!tpu.dma_semaphore, #tpu.memory_space<semaphore_mem>>) src(%dma_wait3A_120 : memref<49152x64xf32, #tpu.memory_space<hbm>>) dst(%dma_wait3A_115 : memref<128x64xf32, #tpu.memory_space<vmem>>)
    %dma_wait3A_121 = arith.constant 384 : i32
    %dma_wait3A_122 = arith.constant 0 : i32
    %dma_wait3A_123 = tpu.memref_slice %arg6[%dma_wait3A_121, %dma_wait3A_122] : memref<1536x64xf32, #tpu.memory_space<vmem>> -> memref<128x64xf32, #tpu.memory_space<vmem>>
    %dma_wait3A_124 = arith.constant 384 : i32
    %dma_wait3A_125 = tpu.memref_slice %arg5[%dma_wait3A_124] : memref<1536xi32, #tpu.memory_space<vmem>> -> memref<128xi32, #tpu.memory_space<vmem>>
    %dma_wait3A_126 = arith.constant 0 : i32
    %dma_wait3A_127 = arith.constant 0 : i32
    %dma_wait3A_128 = tpu.memref_slice %arg3[%dma_wait3A_126, %dma_wait3A_127] : memref<49152x64xf32, #tpu.memory_space<hbm>> -> memref<49152x64xf32, #tpu.memory_space<hbm>>
    tpu.wait_indirect_dma semaphore(%arg7 : memref<!tpu.dma_semaphore, #tpu.memory_space<semaphore_mem>>) src(%dma_wait3A_128 : memref<49152x64xf32, #tpu.memory_space<hbm>>) dst(%dma_wait3A_123 : memref<128x64xf32, #tpu.memory_space<vmem>>)
    %dma_wait3A_129 = arith.constant 512 : i32
    %dma_wait3A_130 = arith.constant 0 : i32
    %dma_wait3A_131 = tpu.memref_slice %arg6[%dma_wait3A_129, %dma_wait3A_130] : memref<1536x64xf32, #tpu.memory_space<vmem>> -> memref<128x64xf32, #tpu.memory_space<vmem>>
    %dma_wait3A_132 = arith.constant 512 : i32
    %dma_wait3A_133 = tpu.memref_slice %arg5[%dma_wait3A_132] : memref<1536xi32, #tpu.memory_space<vmem>> -> memref<128xi32, #tpu.memory_space<vmem>>
    %dma_wait3A_134 = arith.constant 0 : i32
    %dma_wait3A_135 = arith.constant 0 : i32
    %dma_wait3A_136 = tpu.memref_slice %arg3[%dma_wait3A_134, %dma_wait3A_135] : memref<49152x64xf32, #tpu.memory_space<hbm>> -> memref<49152x64xf32, #tpu.memory_space<hbm>>
    tpu.wait_indirect_dma semaphore(%arg7 : memref<!tpu.dma_semaphore, #tpu.memory_space<semaphore_mem>>) src(%dma_wait3A_136 : memref<49152x64xf32, #tpu.memory_space<hbm>>) dst(%dma_wait3A_131 : memref<128x64xf32, #tpu.memory_space<vmem>>)
    %dma_wait3A_137 = arith.constant 640 : i32
    %dma_wait3A_138 = arith.constant 0 : i32
    %dma_wait3A_139 = tpu.memref_slice %arg6[%dma_wait3A_137, %dma_wait3A_138] : memref<1536x64xf32, #tpu.memory_space<vmem>> -> memref<128x64xf32, #tpu.memory_space<vmem>>
    %dma_wait3A_140 = arith.constant 640 : i32
    %dma_wait3A_141 = tpu.memref_slice %arg5[%dma_wait3A_140] : memref<1536xi32, #tpu.memory_space<vmem>> -> memref<128xi32, #tpu.memory_space<vmem>>
    %dma_wait3A_142 = arith.constant 0 : i32
    %dma_wait3A_143 = arith.constant 0 : i32
    %dma_wait3A_144 = tpu.memref_slice %arg3[%dma_wait3A_142, %dma_wait3A_143] : memref<49152x64xf32, #tpu.memory_space<hbm>> -> memref<49152x64xf32, #tpu.memory_space<hbm>>
    tpu.wait_indirect_dma semaphore(%arg7 : memref<!tpu.dma_semaphore, #tpu.memory_space<semaphore_mem>>) src(%dma_wait3A_144 : memref<49152x64xf32, #tpu.memory_space<hbm>>) dst(%dma_wait3A_139 : memref<128x64xf32, #tpu.memory_space<vmem>>)
    %dma_wait3A_145 = arith.constant 768 : i32
    %dma_wait3A_146 = arith.constant 0 : i32
    %dma_wait3A_147 = tpu.memref_slice %arg6[%dma_wait3A_145, %dma_wait3A_146] : memref<1536x64xf32, #tpu.memory_space<vmem>> -> memref<128x64xf32, #tpu.memory_space<vmem>>
    %dma_wait3A_148 = arith.constant 768 : i32
    %dma_wait3A_149 = tpu.memref_slice %arg5[%dma_wait3A_148] : memref<1536xi32, #tpu.memory_space<vmem>> -> memref<128xi32, #tpu.memory_space<vmem>>
    %dma_wait3A_150 = arith.constant 0 : i32
    %dma_wait3A_151 = arith.constant 0 : i32
    %dma_wait3A_152 = tpu.memref_slice %arg3[%dma_wait3A_150, %dma_wait3A_151] : memref<49152x64xf32, #tpu.memory_space<hbm>> -> memref<49152x64xf32, #tpu.memory_space<hbm>>
    tpu.wait_indirect_dma semaphore(%arg7 : memref<!tpu.dma_semaphore, #tpu.memory_space<semaphore_mem>>) src(%dma_wait3A_152 : memref<49152x64xf32, #tpu.memory_space<hbm>>) dst(%dma_wait3A_147 : memref<128x64xf32, #tpu.memory_space<vmem>>)
    %dma_wait3A_153 = arith.constant 896 : i32
    %dma_wait3A_154 = arith.constant 0 : i32
    %dma_wait3A_155 = tpu.memref_slice %arg6[%dma_wait3A_153, %dma_wait3A_154] : memref<1536x64xf32, #tpu.memory_space<vmem>> -> memref<128x64xf32, #tpu.memory_space<vmem>>
    %dma_wait3A_156 = arith.constant 896 : i32
    %dma_wait3A_157 = tpu.memref_slice %arg5[%dma_wait3A_156] : memref<1536xi32, #tpu.memory_space<vmem>> -> memref<128xi32, #tpu.memory_space<vmem>>
    %dma_wait3A_158 = arith.constant 0 : i32
    %dma_wait3A_159 = arith.constant 0 : i32
    %dma_wait3A_160 = tpu.memref_slice %arg3[%dma_wait3A_158, %dma_wait3A_159] : memref<49152x64xf32, #tpu.memory_space<hbm>> -> memref<49152x64xf32, #tpu.memory_space<hbm>>
    tpu.wait_indirect_dma semaphore(%arg7 : memref<!tpu.dma_semaphore, #tpu.memory_space<semaphore_mem>>) src(%dma_wait3A_160 : memref<49152x64xf32, #tpu.memory_space<hbm>>) dst(%dma_wait3A_155 : memref<128x64xf32, #tpu.memory_space<vmem>>)
    %dma_wait3A_161 = arith.constant 1024 : i32
    %dma_wait3A_162 = arith.constant 0 : i32
    %dma_wait3A_163 = tpu.memref_slice %arg6[%dma_wait3A_161, %dma_wait3A_162] : memref<1536x64xf32, #tpu.memory_space<vmem>> -> memref<128x64xf32, #tpu.memory_space<vmem>>
    %dma_wait3A_164 = arith.constant 1024 : i32
    %dma_wait3A_165 = tpu.memref_slice %arg5[%dma_wait3A_164] : memref<1536xi32, #tpu.memory_space<vmem>> -> memref<128xi32, #tpu.memory_space<vmem>>
    %dma_wait3A_166 = arith.constant 0 : i32
    %dma_wait3A_167 = arith.constant 0 : i32
    %dma_wait3A_168 = tpu.memref_slice %arg3[%dma_wait3A_166, %dma_wait3A_167] : memref<49152x64xf32, #tpu.memory_space<hbm>> -> memref<49152x64xf32, #tpu.memory_space<hbm>>
    tpu.wait_indirect_dma semaphore(%arg7 : memref<!tpu.dma_semaphore, #tpu.memory_space<semaphore_mem>>) src(%dma_wait3A_168 : memref<49152x64xf32, #tpu.memory_space<hbm>>) dst(%dma_wait3A_163 : memref<128x64xf32, #tpu.memory_space<vmem>>)
    %dma_wait3A_169 = arith.constant 1152 : i32
    %dma_wait3A_170 = arith.constant 0 : i32
    %dma_wait3A_171 = tpu.memref_slice %arg6[%dma_wait3A_169, %dma_wait3A_170] : memref<1536x64xf32, #tpu.memory_space<vmem>> -> memref<128x64xf32, #tpu.memory_space<vmem>>
    %dma_wait3A_172 = arith.constant 1152 : i32
    %dma_wait3A_173 = tpu.memref_slice %arg5[%dma_wait3A_172] : memref<1536xi32, #tpu.memory_space<vmem>> -> memref<128xi32, #tpu.memory_space<vmem>>
    %dma_wait3A_174 = arith.constant 0 : i32
    %dma_wait3A_175 = arith.constant 0 : i32
    %dma_wait3A_176 = tpu.memref_slice %arg3[%dma_wait3A_174, %dma_wait3A_175] : memref<49152x64xf32, #tpu.memory_space<hbm>> -> memref<49152x64xf32, #tpu.memory_space<hbm>>
    tpu.wait_indirect_dma semaphore(%arg7 : memref<!tpu.dma_semaphore, #tpu.memory_space<semaphore_mem>>) src(%dma_wait3A_176 : memref<49152x64xf32, #tpu.memory_space<hbm>>) dst(%dma_wait3A_171 : memref<128x64xf32, #tpu.memory_space<vmem>>)
    %dma_wait3A_177 = arith.constant 1280 : i32
    %dma_wait3A_178 = arith.constant 0 : i32
    %dma_wait3A_179 = tpu.memref_slice %arg6[%dma_wait3A_177, %dma_wait3A_178] : memref<1536x64xf32, #tpu.memory_space<vmem>> -> memref<128x64xf32, #tpu.memory_space<vmem>>
    %dma_wait3A_180 = arith.constant 1280 : i32
    %dma_wait3A_181 = tpu.memref_slice %arg5[%dma_wait3A_180] : memref<1536xi32, #tpu.memory_space<vmem>> -> memref<128xi32, #tpu.memory_space<vmem>>
    %dma_wait3A_182 = arith.constant 0 : i32
    %dma_wait3A_183 = arith.constant 0 : i32
    %dma_wait3A_184 = tpu.memref_slice %arg3[%dma_wait3A_182, %dma_wait3A_183] : memref<49152x64xf32, #tpu.memory_space<hbm>> -> memref<49152x64xf32, #tpu.memory_space<hbm>>
    tpu.wait_indirect_dma semaphore(%arg7 : memref<!tpu.dma_semaphore, #tpu.memory_space<semaphore_mem>>) src(%dma_wait3A_184 : memref<49152x64xf32, #tpu.memory_space<hbm>>) dst(%dma_wait3A_179 : memref<128x64xf32, #tpu.memory_space<vmem>>)
    %dma_wait3A_185 = arith.constant 1408 : i32
    %dma_wait3A_186 = arith.constant 0 : i32
    %dma_wait3A_187 = tpu.memref_slice %arg6[%dma_wait3A_185, %dma_wait3A_186] : memref<1536x64xf32, #tpu.memory_space<vmem>> -> memref<128x64xf32, #tpu.memory_space<vmem>>
    %dma_wait3A_188 = arith.constant 1408 : i32
    %dma_wait3A_189 = tpu.memref_slice %arg5[%dma_wait3A_188] : memref<1536xi32, #tpu.memory_space<vmem>> -> memref<128xi32, #tpu.memory_space<vmem>>
    %dma_wait3A_190 = arith.constant 0 : i32
    %dma_wait3A_191 = arith.constant 0 : i32
    %dma_wait3A_192 = tpu.memref_slice %arg3[%dma_wait3A_190, %dma_wait3A_191] : memref<49152x64xf32, #tpu.memory_space<hbm>> -> memref<49152x64xf32, #tpu.memory_space<hbm>>
    tpu.wait_indirect_dma semaphore(%arg7 : memref<!tpu.dma_semaphore, #tpu.memory_space<semaphore_mem>>) src(%dma_wait3A_192 : memref<49152x64xf32, #tpu.memory_space<hbm>>) dst(%dma_wait3A_187 : memref<128x64xf32, #tpu.memory_space<vmem>>)
    %mul3A_193 = arith.constant 1536 : i32
    %mul3A_194 = arith.muli %add3A, %mul3A_193 : i32
    "tpu.region"() ({
      %run_scoped3A = tpu.sem_alloc : memref<!tpu.dma_semaphore, #tpu.memory_space<semaphore_mem>>
      %dma_start3A_195 = arith.constant 0 : i32
      %dma_start3A_196 = tpu.memref_slice %arg4[%mul3A_194, %dma_start3A_195] : memref<49152x64xf32, #tpu.memory_space<hbm>> -> memref<1536x64xf32, #tpu.memory_space<hbm>>
      %dma_start3A_197 = arith.constant 0 : i32
      %dma_start3A_198 = tpu.memref_slice %arg4[%mul3A_194, %dma_start3A_197] : memref<49152x64xf32, #tpu.memory_space<hbm>> -> memref<1536x64xf32, #tpu.memory_space<hbm>>
      tpu.enqueue_dma source(%arg6 : memref<1536x64xf32, #tpu.memory_space<vmem>>) target(%dma_start3A_198 : memref<1536x64xf32, #tpu.memory_space<hbm>>) target_semaphore(%run_scoped3A : memref<!tpu.dma_semaphore, #tpu.memory_space<semaphore_mem>>)
      %dma_wait3A_199 = arith.constant 0 : i32
      %dma_wait3A_200 = tpu.memref_slice %arg4[%mul3A_194, %dma_wait3A_199] : memref<49152x64xf32, #tpu.memory_space<hbm>> -> memref<1536x64xf32, #tpu.memory_space<hbm>>
      %dma_wait3A_201 = arith.constant 0 : i32
      %dma_wait3A_202 = tpu.memref_slice %arg4[%mul3A_194, %dma_wait3A_201] : memref<49152x64xf32, #tpu.memory_space<hbm>> -> memref<1536x64xf32, #tpu.memory_space<hbm>>
      tpu.wait_dma2 semaphore(%run_scoped3A : memref<!tpu.dma_semaphore, #tpu.memory_space<semaphore_mem>>) src(%arg6 : memref<1536x64xf32, #tpu.memory_space<vmem>>) dst(%dma_wait3A_202 : memref<1536x64xf32, #tpu.memory_space<hbm>>)
      tpu.yield
    }) : () -> ()
    return
  }
}

#map = affine_map<(d0, d1) -> (0)>
module attributes {stable_mosaic.version = 14 : i64} {
  func.func @_sc_compose(%arg0: i32, %arg1: i32, %arg2: memref<49152xi32, #tpu.memory_space<hbm>>, %arg3: memref<49152xi32, #tpu.memory_space<hbm>>, %arg4: memref<49152xi32, #tpu.memory_space<hbm>>, %arg5: memref<1536xi32, #tpu.memory_space<vmem>>, %arg6: memref<1536xi32, #tpu.memory_space<vmem>>, %arg7: memref<1536xi32, #tpu.memory_space<vmem>>, %arg8: memref<1536xi32, #tpu.memory_space<vmem>>, %arg9: memref<!tpu.dma_semaphore, #tpu.memory_space<semaphore_mem>>) attributes {dimension_semantics = [#tpu.dimension_semantics<core_parallel>, #tpu.dimension_semantics<subcore_parallel>], iteration_bounds = array<i64: 2, 16>, scalar_prefetch = 0 : i64, scratch_operands = 5 : i64, tpu.core_type = #tpu.core_type<sc_vector_subcore>, window_params = [{transform_indices = #map}, {transform_indices = #map}, {transform_indices = #map}]} {
    %mul3A = arith.constant 2 : i32
    %mul3A_0 = arith.muli %arg1, %mul3A : i32
    %add3A = arith.addi %mul3A_0, %arg0 : i32
    %mul3A_1 = arith.constant 1536 : i32
    %mul3A_2 = arith.muli %add3A, %mul3A_1 : i32
    %scan3A = arith.constant 0 : i32
    %scan3A_3 = arith.constant 0 : i32
    %scan3A_4 = arith.constant 96 : i32
    %scan3A_5 = arith.addi %scan3A_3, %scan3A_4 : i32
    %scan3A_6 = arith.constant 1 : i32
    scf.for %scan3A_300 = %scan3A_3 to %scan3A_5 step %scan3A_6  : i32 {
      %mul3A_301 = arith.constant 16 : i32
      %mul3A_302 = arith.muli %scan3A_300, %mul3A_301 : i32
      %iota3A = tpu.iota {dimensions = array<i32: 0>} : vector<16xi32>
      %add3A_303 = vector.broadcast %mul3A_302 : i32 to vector<16xi32>
      %add3A_304 = arith.addi %add3A_303, %iota3A : vector<16xi32>
      %and3A = arith.constant 1 : i32
      %and3A_305 = vector.broadcast %and3A : i32 to vector<16xi32>
      %and3A_306 = arith.andi %add3A_304, %and3A_305 : vector<16xi32>
      %mul3A_307 = arith.constant 768 : i32
      %mul3A_308 = vector.broadcast %mul3A_307 : i32 to vector<16xi32>
      %mul3A_309 = arith.muli %mul3A_308, %and3A_306 : vector<16xi32>
      %add3A_310 = vector.broadcast %mul3A_2 : i32 to vector<16xi32>
      %add3A_311 = arith.addi %add3A_310, %mul3A_309 : vector<16xi32>
      %shift_right_arithmetic3A = arith.constant 1 : i32
      %shift_right_arithmetic3A_312 = vector.broadcast %shift_right_arithmetic3A : i32 to vector<16xi32>
      %shift_right_arithmetic3A_313 = arith.shrsi %add3A_304, %shift_right_arithmetic3A_312 : vector<16xi32>
      %add3A_314 = arith.addi %add3A_311, %shift_right_arithmetic3A_313 : vector<16xi32>
      %mul3A_315 = arith.constant 16 : i32
      %mul3A_316 = arith.muli %scan3A_300, %mul3A_315 : i32
      %swap3A = arith.index_cast %mul3A_316 : i32 to index
      %swap3A_317 = tpu.vector_load %arg5[%swap3A] {strides = array<i32>} : memref<1536xi32, #tpu.memory_space<vmem>>, vector<16xi32>,
      %swap3A_318 = vector.shape_cast %swap3A_317 : vector<16xi32> to vector<16xi32>
      %swap3A_319 = vector.shape_cast %add3A_314 : vector<16xi32> to vector<16xi32>
      tpu.vector_store %arg5[%swap3A], %swap3A_319 {strides = array<i32>} : memref<1536xi32, #tpu.memory_space<vmem>>, vector<16xi32>,
    }
    %scan3A_7 = arith.constant 96 : i32
    %dma_start3A = arith.constant 0 : i32
    %dma_start3A_8 = tpu.memref_slice %arg6[%dma_start3A] : memref<1536xi32, #tpu.memory_space<vmem>> -> memref<128xi32, #tpu.memory_space<vmem>>
    %dma_start3A_9 = arith.constant 0 : i32
    %dma_start3A_10 = tpu.memref_slice %arg5[%dma_start3A_9] : memref<1536xi32, #tpu.memory_space<vmem>> -> memref<128xi32, #tpu.memory_space<vmem>>
    %dma_start3A_11 = arith.constant 0 : i32
    %dma_start3A_12 = tpu.memref_slice %arg2[%dma_start3A_11] : memref<49152xi32, #tpu.memory_space<hbm>> -> memref<49152xi32, #tpu.memory_space<hbm>>
    tpu.enqueue_indirect_dma source(%dma_start3A_12 : memref<49152xi32, #tpu.memory_space<hbm>>) target(%dma_start3A_8 : memref<128xi32, #tpu.memory_space<vmem>>) offsets(%dma_start3A_10 : memref<128xi32, #tpu.memory_space<vmem>>) semaphore(%arg9 : memref<!tpu.dma_semaphore, #tpu.memory_space<semaphore_mem>>)
    %dma_start3A_13 = arith.constant 128 : i32
    %dma_start3A_14 = tpu.memref_slice %arg6[%dma_start3A_13] : memref<1536xi32, #tpu.memory_space<vmem>> -> memref<128xi32, #tpu.memory_space<vmem>>
    %dma_start3A_15 = arith.constant 128 : i32
    %dma_start3A_16 = tpu.memref_slice %arg5[%dma_start3A_15] : memref<1536xi32, #tpu.memory_space<vmem>> -> memref<128xi32, #tpu.memory_space<vmem>>
    %dma_start3A_17 = arith.constant 0 : i32
    %dma_start3A_18 = tpu.memref_slice %arg2[%dma_start3A_17] : memref<49152xi32, #tpu.memory_space<hbm>> -> memref<49152xi32, #tpu.memory_space<hbm>>
    tpu.enqueue_indirect_dma source(%dma_start3A_18 : memref<49152xi32, #tpu.memory_space<hbm>>) target(%dma_start3A_14 : memref<128xi32, #tpu.memory_space<vmem>>) offsets(%dma_start3A_16 : memref<128xi32, #tpu.memory_space<vmem>>) semaphore(%arg9 : memref<!tpu.dma_semaphore, #tpu.memory_space<semaphore_mem>>)
    %dma_start3A_19 = arith.constant 256 : i32
    %dma_start3A_20 = tpu.memref_slice %arg6[%dma_start3A_19] : memref<1536xi32, #tpu.memory_space<vmem>> -> memref<128xi32, #tpu.memory_space<vmem>>
    %dma_start3A_21 = arith.constant 256 : i32
    %dma_start3A_22 = tpu.memref_slice %arg5[%dma_start3A_21] : memref<1536xi32, #tpu.memory_space<vmem>> -> memref<128xi32, #tpu.memory_space<vmem>>
    %dma_start3A_23 = arith.constant 0 : i32
    %dma_start3A_24 = tpu.memref_slice %arg2[%dma_start3A_23] : memref<49152xi32, #tpu.memory_space<hbm>> -> memref<49152xi32, #tpu.memory_space<hbm>>
    tpu.enqueue_indirect_dma source(%dma_start3A_24 : memref<49152xi32, #tpu.memory_space<hbm>>) target(%dma_start3A_20 : memref<128xi32, #tpu.memory_space<vmem>>) offsets(%dma_start3A_22 : memref<128xi32, #tpu.memory_space<vmem>>) semaphore(%arg9 : memref<!tpu.dma_semaphore, #tpu.memory_space<semaphore_mem>>)
    %dma_start3A_25 = arith.constant 384 : i32
    %dma_start3A_26 = tpu.memref_slice %arg6[%dma_start3A_25] : memref<1536xi32, #tpu.memory_space<vmem>> -> memref<128xi32, #tpu.memory_space<vmem>>
    %dma_start3A_27 = arith.constant 384 : i32
    %dma_start3A_28 = tpu.memref_slice %arg5[%dma_start3A_27] : memref<1536xi32, #tpu.memory_space<vmem>> -> memref<128xi32, #tpu.memory_space<vmem>>
    %dma_start3A_29 = arith.constant 0 : i32
    %dma_start3A_30 = tpu.memref_slice %arg2[%dma_start3A_29] : memref<49152xi32, #tpu.memory_space<hbm>> -> memref<49152xi32, #tpu.memory_space<hbm>>
    tpu.enqueue_indirect_dma source(%dma_start3A_30 : memref<49152xi32, #tpu.memory_space<hbm>>) target(%dma_start3A_26 : memref<128xi32, #tpu.memory_space<vmem>>) offsets(%dma_start3A_28 : memref<128xi32, #tpu.memory_space<vmem>>) semaphore(%arg9 : memref<!tpu.dma_semaphore, #tpu.memory_space<semaphore_mem>>)
    %dma_start3A_31 = arith.constant 512 : i32
    %dma_start3A_32 = tpu.memref_slice %arg6[%dma_start3A_31] : memref<1536xi32, #tpu.memory_space<vmem>> -> memref<128xi32, #tpu.memory_space<vmem>>
    %dma_start3A_33 = arith.constant 512 : i32
    %dma_start3A_34 = tpu.memref_slice %arg5[%dma_start3A_33] : memref<1536xi32, #tpu.memory_space<vmem>> -> memref<128xi32, #tpu.memory_space<vmem>>
    %dma_start3A_35 = arith.constant 0 : i32
    %dma_start3A_36 = tpu.memref_slice %arg2[%dma_start3A_35] : memref<49152xi32, #tpu.memory_space<hbm>> -> memref<49152xi32, #tpu.memory_space<hbm>>
    tpu.enqueue_indirect_dma source(%dma_start3A_36 : memref<49152xi32, #tpu.memory_space<hbm>>) target(%dma_start3A_32 : memref<128xi32, #tpu.memory_space<vmem>>) offsets(%dma_start3A_34 : memref<128xi32, #tpu.memory_space<vmem>>) semaphore(%arg9 : memref<!tpu.dma_semaphore, #tpu.memory_space<semaphore_mem>>)
    %dma_start3A_37 = arith.constant 640 : i32
    %dma_start3A_38 = tpu.memref_slice %arg6[%dma_start3A_37] : memref<1536xi32, #tpu.memory_space<vmem>> -> memref<128xi32, #tpu.memory_space<vmem>>
    %dma_start3A_39 = arith.constant 640 : i32
    %dma_start3A_40 = tpu.memref_slice %arg5[%dma_start3A_39] : memref<1536xi32, #tpu.memory_space<vmem>> -> memref<128xi32, #tpu.memory_space<vmem>>
    %dma_start3A_41 = arith.constant 0 : i32
    %dma_start3A_42 = tpu.memref_slice %arg2[%dma_start3A_41] : memref<49152xi32, #tpu.memory_space<hbm>> -> memref<49152xi32, #tpu.memory_space<hbm>>
    tpu.enqueue_indirect_dma source(%dma_start3A_42 : memref<49152xi32, #tpu.memory_space<hbm>>) target(%dma_start3A_38 : memref<128xi32, #tpu.memory_space<vmem>>) offsets(%dma_start3A_40 : memref<128xi32, #tpu.memory_space<vmem>>) semaphore(%arg9 : memref<!tpu.dma_semaphore, #tpu.memory_space<semaphore_mem>>)
    %dma_start3A_43 = arith.constant 768 : i32
    %dma_start3A_44 = tpu.memref_slice %arg6[%dma_start3A_43] : memref<1536xi32, #tpu.memory_space<vmem>> -> memref<128xi32, #tpu.memory_space<vmem>>
    %dma_start3A_45 = arith.constant 768 : i32
    %dma_start3A_46 = tpu.memref_slice %arg5[%dma_start3A_45] : memref<1536xi32, #tpu.memory_space<vmem>> -> memref<128xi32, #tpu.memory_space<vmem>>
    %dma_start3A_47 = arith.constant 0 : i32
    %dma_start3A_48 = tpu.memref_slice %arg2[%dma_start3A_47] : memref<49152xi32, #tpu.memory_space<hbm>> -> memref<49152xi32, #tpu.memory_space<hbm>>
    tpu.enqueue_indirect_dma source(%dma_start3A_48 : memref<49152xi32, #tpu.memory_space<hbm>>) target(%dma_start3A_44 : memref<128xi32, #tpu.memory_space<vmem>>) offsets(%dma_start3A_46 : memref<128xi32, #tpu.memory_space<vmem>>) semaphore(%arg9 : memref<!tpu.dma_semaphore, #tpu.memory_space<semaphore_mem>>)
    %dma_start3A_49 = arith.constant 896 : i32
    %dma_start3A_50 = tpu.memref_slice %arg6[%dma_start3A_49] : memref<1536xi32, #tpu.memory_space<vmem>> -> memref<128xi32, #tpu.memory_space<vmem>>
    %dma_start3A_51 = arith.constant 896 : i32
    %dma_start3A_52 = tpu.memref_slice %arg5[%dma_start3A_51] : memref<1536xi32, #tpu.memory_space<vmem>> -> memref<128xi32, #tpu.memory_space<vmem>>
    %dma_start3A_53 = arith.constant 0 : i32
    %dma_start3A_54 = tpu.memref_slice %arg2[%dma_start3A_53] : memref<49152xi32, #tpu.memory_space<hbm>> -> memref<49152xi32, #tpu.memory_space<hbm>>
    tpu.enqueue_indirect_dma source(%dma_start3A_54 : memref<49152xi32, #tpu.memory_space<hbm>>) target(%dma_start3A_50 : memref<128xi32, #tpu.memory_space<vmem>>) offsets(%dma_start3A_52 : memref<128xi32, #tpu.memory_space<vmem>>) semaphore(%arg9 : memref<!tpu.dma_semaphore, #tpu.memory_space<semaphore_mem>>)
    %dma_start3A_55 = arith.constant 1024 : i32
    %dma_start3A_56 = tpu.memref_slice %arg6[%dma_start3A_55] : memref<1536xi32, #tpu.memory_space<vmem>> -> memref<128xi32, #tpu.memory_space<vmem>>
    %dma_start3A_57 = arith.constant 1024 : i32
    %dma_start3A_58 = tpu.memref_slice %arg5[%dma_start3A_57] : memref<1536xi32, #tpu.memory_space<vmem>> -> memref<128xi32, #tpu.memory_space<vmem>>
    %dma_start3A_59 = arith.constant 0 : i32
    %dma_start3A_60 = tpu.memref_slice %arg2[%dma_start3A_59] : memref<49152xi32, #tpu.memory_space<hbm>> -> memref<49152xi32, #tpu.memory_space<hbm>>
    tpu.enqueue_indirect_dma source(%dma_start3A_60 : memref<49152xi32, #tpu.memory_space<hbm>>) target(%dma_start3A_56 : memref<128xi32, #tpu.memory_space<vmem>>) offsets(%dma_start3A_58 : memref<128xi32, #tpu.memory_space<vmem>>) semaphore(%arg9 : memref<!tpu.dma_semaphore, #tpu.memory_space<semaphore_mem>>)
    %dma_start3A_61 = arith.constant 1152 : i32
    %dma_start3A_62 = tpu.memref_slice %arg6[%dma_start3A_61] : memref<1536xi32, #tpu.memory_space<vmem>> -> memref<128xi32, #tpu.memory_space<vmem>>
    %dma_start3A_63 = arith.constant 1152 : i32
    %dma_start3A_64 = tpu.memref_slice %arg5[%dma_start3A_63] : memref<1536xi32, #tpu.memory_space<vmem>> -> memref<128xi32, #tpu.memory_space<vmem>>
    %dma_start3A_65 = arith.constant 0 : i32
    %dma_start3A_66 = tpu.memref_slice %arg2[%dma_start3A_65] : memref<49152xi32, #tpu.memory_space<hbm>> -> memref<49152xi32, #tpu.memory_space<hbm>>
    tpu.enqueue_indirect_dma source(%dma_start3A_66 : memref<49152xi32, #tpu.memory_space<hbm>>) target(%dma_start3A_62 : memref<128xi32, #tpu.memory_space<vmem>>) offsets(%dma_start3A_64 : memref<128xi32, #tpu.memory_space<vmem>>) semaphore(%arg9 : memref<!tpu.dma_semaphore, #tpu.memory_space<semaphore_mem>>)
    %dma_start3A_67 = arith.constant 1280 : i32
    %dma_start3A_68 = tpu.memref_slice %arg6[%dma_start3A_67] : memref<1536xi32, #tpu.memory_space<vmem>> -> memref<128xi32, #tpu.memory_space<vmem>>
    %dma_start3A_69 = arith.constant 1280 : i32
    %dma_start3A_70 = tpu.memref_slice %arg5[%dma_start3A_69] : memref<1536xi32, #tpu.memory_space<vmem>> -> memref<128xi32, #tpu.memory_space<vmem>>
    %dma_start3A_71 = arith.constant 0 : i32
    %dma_start3A_72 = tpu.memref_slice %arg2[%dma_start3A_71] : memref<49152xi32, #tpu.memory_space<hbm>> -> memref<49152xi32, #tpu.memory_space<hbm>>
    tpu.enqueue_indirect_dma source(%dma_start3A_72 : memref<49152xi32, #tpu.memory_space<hbm>>) target(%dma_start3A_68 : memref<128xi32, #tpu.memory_space<vmem>>) offsets(%dma_start3A_70 : memref<128xi32, #tpu.memory_space<vmem>>) semaphore(%arg9 : memref<!tpu.dma_semaphore, #tpu.memory_space<semaphore_mem>>)
    %dma_start3A_73 = arith.constant 1408 : i32
    %dma_start3A_74 = tpu.memref_slice %arg6[%dma_start3A_73] : memref<1536xi32, #tpu.memory_space<vmem>> -> memref<128xi32, #tpu.memory_space<vmem>>
    %dma_start3A_75 = arith.constant 1408 : i32
    %dma_start3A_76 = tpu.memref_slice %arg5[%dma_start3A_75] : memref<1536xi32, #tpu.memory_space<vmem>> -> memref<128xi32, #tpu.memory_space<vmem>>
    %dma_start3A_77 = arith.constant 0 : i32
    %dma_start3A_78 = tpu.memref_slice %arg2[%dma_start3A_77] : memref<49152xi32, #tpu.memory_space<hbm>> -> memref<49152xi32, #tpu.memory_space<hbm>>
    tpu.enqueue_indirect_dma source(%dma_start3A_78 : memref<49152xi32, #tpu.memory_space<hbm>>) target(%dma_start3A_74 : memref<128xi32, #tpu.memory_space<vmem>>) offsets(%dma_start3A_76 : memref<128xi32, #tpu.memory_space<vmem>>) semaphore(%arg9 : memref<!tpu.dma_semaphore, #tpu.memory_space<semaphore_mem>>)
    %dma_wait3A = arith.constant 0 : i32
    %dma_wait3A_79 = tpu.memref_slice %arg6[%dma_wait3A] : memref<1536xi32, #tpu.memory_space<vmem>> -> memref<128xi32, #tpu.memory_space<vmem>>
    %dma_wait3A_80 = arith.constant 0 : i32
    %dma_wait3A_81 = tpu.memref_slice %arg5[%dma_wait3A_80] : memref<1536xi32, #tpu.memory_space<vmem>> -> memref<128xi32, #tpu.memory_space<vmem>>
    %dma_wait3A_82 = arith.constant 0 : i32
    %dma_wait3A_83 = tpu.memref_slice %arg2[%dma_wait3A_82] : memref<49152xi32, #tpu.memory_space<hbm>> -> memref<49152xi32, #tpu.memory_space<hbm>>
    tpu.wait_indirect_dma semaphore(%arg9 : memref<!tpu.dma_semaphore, #tpu.memory_space<semaphore_mem>>) src(%dma_wait3A_83 : memref<49152xi32, #tpu.memory_space<hbm>>) dst(%dma_wait3A_79 : memref<128xi32, #tpu.memory_space<vmem>>)
    %dma_wait3A_84 = arith.constant 128 : i32
    %dma_wait3A_85 = tpu.memref_slice %arg6[%dma_wait3A_84] : memref<1536xi32, #tpu.memory_space<vmem>> -> memref<128xi32, #tpu.memory_space<vmem>>
    %dma_wait3A_86 = arith.constant 128 : i32
    %dma_wait3A_87 = tpu.memref_slice %arg5[%dma_wait3A_86] : memref<1536xi32, #tpu.memory_space<vmem>> -> memref<128xi32, #tpu.memory_space<vmem>>
    %dma_wait3A_88 = arith.constant 0 : i32
    %dma_wait3A_89 = tpu.memref_slice %arg2[%dma_wait3A_88] : memref<49152xi32, #tpu.memory_space<hbm>> -> memref<49152xi32, #tpu.memory_space<hbm>>
    tpu.wait_indirect_dma semaphore(%arg9 : memref<!tpu.dma_semaphore, #tpu.memory_space<semaphore_mem>>) src(%dma_wait3A_89 : memref<49152xi32, #tpu.memory_space<hbm>>) dst(%dma_wait3A_85 : memref<128xi32, #tpu.memory_space<vmem>>)
    %dma_wait3A_90 = arith.constant 256 : i32
    %dma_wait3A_91 = tpu.memref_slice %arg6[%dma_wait3A_90] : memref<1536xi32, #tpu.memory_space<vmem>> -> memref<128xi32, #tpu.memory_space<vmem>>
    %dma_wait3A_92 = arith.constant 256 : i32
    %dma_wait3A_93 = tpu.memref_slice %arg5[%dma_wait3A_92] : memref<1536xi32, #tpu.memory_space<vmem>> -> memref<128xi32, #tpu.memory_space<vmem>>
    %dma_wait3A_94 = arith.constant 0 : i32
    %dma_wait3A_95 = tpu.memref_slice %arg2[%dma_wait3A_94] : memref<49152xi32, #tpu.memory_space<hbm>> -> memref<49152xi32, #tpu.memory_space<hbm>>
    tpu.wait_indirect_dma semaphore(%arg9 : memref<!tpu.dma_semaphore, #tpu.memory_space<semaphore_mem>>) src(%dma_wait3A_95 : memref<49152xi32, #tpu.memory_space<hbm>>) dst(%dma_wait3A_91 : memref<128xi32, #tpu.memory_space<vmem>>)
    %dma_wait3A_96 = arith.constant 384 : i32
    %dma_wait3A_97 = tpu.memref_slice %arg6[%dma_wait3A_96] : memref<1536xi32, #tpu.memory_space<vmem>> -> memref<128xi32, #tpu.memory_space<vmem>>
    %dma_wait3A_98 = arith.constant 384 : i32
    %dma_wait3A_99 = tpu.memref_slice %arg5[%dma_wait3A_98] : memref<1536xi32, #tpu.memory_space<vmem>> -> memref<128xi32, #tpu.memory_space<vmem>>
    %dma_wait3A_100 = arith.constant 0 : i32
    %dma_wait3A_101 = tpu.memref_slice %arg2[%dma_wait3A_100] : memref<49152xi32, #tpu.memory_space<hbm>> -> memref<49152xi32, #tpu.memory_space<hbm>>
    tpu.wait_indirect_dma semaphore(%arg9 : memref<!tpu.dma_semaphore, #tpu.memory_space<semaphore_mem>>) src(%dma_wait3A_101 : memref<49152xi32, #tpu.memory_space<hbm>>) dst(%dma_wait3A_97 : memref<128xi32, #tpu.memory_space<vmem>>)
    %dma_wait3A_102 = arith.constant 512 : i32
    %dma_wait3A_103 = tpu.memref_slice %arg6[%dma_wait3A_102] : memref<1536xi32, #tpu.memory_space<vmem>> -> memref<128xi32, #tpu.memory_space<vmem>>
    %dma_wait3A_104 = arith.constant 512 : i32
    %dma_wait3A_105 = tpu.memref_slice %arg5[%dma_wait3A_104] : memref<1536xi32, #tpu.memory_space<vmem>> -> memref<128xi32, #tpu.memory_space<vmem>>
    %dma_wait3A_106 = arith.constant 0 : i32
    %dma_wait3A_107 = tpu.memref_slice %arg2[%dma_wait3A_106] : memref<49152xi32, #tpu.memory_space<hbm>> -> memref<49152xi32, #tpu.memory_space<hbm>>
    tpu.wait_indirect_dma semaphore(%arg9 : memref<!tpu.dma_semaphore, #tpu.memory_space<semaphore_mem>>) src(%dma_wait3A_107 : memref<49152xi32, #tpu.memory_space<hbm>>) dst(%dma_wait3A_103 : memref<128xi32, #tpu.memory_space<vmem>>)
    %dma_wait3A_108 = arith.constant 640 : i32
    %dma_wait3A_109 = tpu.memref_slice %arg6[%dma_wait3A_108] : memref<1536xi32, #tpu.memory_space<vmem>> -> memref<128xi32, #tpu.memory_space<vmem>>
    %dma_wait3A_110 = arith.constant 640 : i32
    %dma_wait3A_111 = tpu.memref_slice %arg5[%dma_wait3A_110] : memref<1536xi32, #tpu.memory_space<vmem>> -> memref<128xi32, #tpu.memory_space<vmem>>
    %dma_wait3A_112 = arith.constant 0 : i32
    %dma_wait3A_113 = tpu.memref_slice %arg2[%dma_wait3A_112] : memref<49152xi32, #tpu.memory_space<hbm>> -> memref<49152xi32, #tpu.memory_space<hbm>>
    tpu.wait_indirect_dma semaphore(%arg9 : memref<!tpu.dma_semaphore, #tpu.memory_space<semaphore_mem>>) src(%dma_wait3A_113 : memref<49152xi32, #tpu.memory_space<hbm>>) dst(%dma_wait3A_109 : memref<128xi32, #tpu.memory_space<vmem>>)
    %dma_wait3A_114 = arith.constant 768 : i32
    %dma_wait3A_115 = tpu.memref_slice %arg6[%dma_wait3A_114] : memref<1536xi32, #tpu.memory_space<vmem>> -> memref<128xi32, #tpu.memory_space<vmem>>
    %dma_wait3A_116 = arith.constant 768 : i32
    %dma_wait3A_117 = tpu.memref_slice %arg5[%dma_wait3A_116] : memref<1536xi32, #tpu.memory_space<vmem>> -> memref<128xi32, #tpu.memory_space<vmem>>
    %dma_wait3A_118 = arith.constant 0 : i32
    %dma_wait3A_119 = tpu.memref_slice %arg2[%dma_wait3A_118] : memref<49152xi32, #tpu.memory_space<hbm>> -> memref<49152xi32, #tpu.memory_space<hbm>>
    tpu.wait_indirect_dma semaphore(%arg9 : memref<!tpu.dma_semaphore, #tpu.memory_space<semaphore_mem>>) src(%dma_wait3A_119 : memref<49152xi32, #tpu.memory_space<hbm>>) dst(%dma_wait3A_115 : memref<128xi32, #tpu.memory_space<vmem>>)
    %dma_wait3A_120 = arith.constant 896 : i32
    %dma_wait3A_121 = tpu.memref_slice %arg6[%dma_wait3A_120] : memref<1536xi32, #tpu.memory_space<vmem>> -> memref<128xi32, #tpu.memory_space<vmem>>
    %dma_wait3A_122 = arith.constant 896 : i32
    %dma_wait3A_123 = tpu.memref_slice %arg5[%dma_wait3A_122] : memref<1536xi32, #tpu.memory_space<vmem>> -> memref<128xi32, #tpu.memory_space<vmem>>
    %dma_wait3A_124 = arith.constant 0 : i32
    %dma_wait3A_125 = tpu.memref_slice %arg2[%dma_wait3A_124] : memref<49152xi32, #tpu.memory_space<hbm>> -> memref<49152xi32, #tpu.memory_space<hbm>>
    tpu.wait_indirect_dma semaphore(%arg9 : memref<!tpu.dma_semaphore, #tpu.memory_space<semaphore_mem>>) src(%dma_wait3A_125 : memref<49152xi32, #tpu.memory_space<hbm>>) dst(%dma_wait3A_121 : memref<128xi32, #tpu.memory_space<vmem>>)
    %dma_wait3A_126 = arith.constant 1024 : i32
    %dma_wait3A_127 = tpu.memref_slice %arg6[%dma_wait3A_126] : memref<1536xi32, #tpu.memory_space<vmem>> -> memref<128xi32, #tpu.memory_space<vmem>>
    %dma_wait3A_128 = arith.constant 1024 : i32
    %dma_wait3A_129 = tpu.memref_slice %arg5[%dma_wait3A_128] : memref<1536xi32, #tpu.memory_space<vmem>> -> memref<128xi32, #tpu.memory_space<vmem>>
    %dma_wait3A_130 = arith.constant 0 : i32
    %dma_wait3A_131 = tpu.memref_slice %arg2[%dma_wait3A_130] : memref<49152xi32, #tpu.memory_space<hbm>> -> memref<49152xi32, #tpu.memory_space<hbm>>
    tpu.wait_indirect_dma semaphore(%arg9 : memref<!tpu.dma_semaphore, #tpu.memory_space<semaphore_mem>>) src(%dma_wait3A_131 : memref<49152xi32, #tpu.memory_space<hbm>>) dst(%dma_wait3A_127 : memref<128xi32, #tpu.memory_space<vmem>>)
    %dma_wait3A_132 = arith.constant 1152 : i32
    %dma_wait3A_133 = tpu.memref_slice %arg6[%dma_wait3A_132] : memref<1536xi32, #tpu.memory_space<vmem>> -> memref<128xi32, #tpu.memory_space<vmem>>
    %dma_wait3A_134 = arith.constant 1152 : i32
    %dma_wait3A_135 = tpu.memref_slice %arg5[%dma_wait3A_134] : memref<1536xi32, #tpu.memory_space<vmem>> -> memref<128xi32, #tpu.memory_space<vmem>>
    %dma_wait3A_136 = arith.constant 0 : i32
    %dma_wait3A_137 = tpu.memref_slice %arg2[%dma_wait3A_136] : memref<49152xi32, #tpu.memory_space<hbm>> -> memref<49152xi32, #tpu.memory_space<hbm>>
    tpu.wait_indirect_dma semaphore(%arg9 : memref<!tpu.dma_semaphore, #tpu.memory_space<semaphore_mem>>) src(%dma_wait3A_137 : memref<49152xi32, #tpu.memory_space<hbm>>) dst(%dma_wait3A_133 : memref<128xi32, #tpu.memory_space<vmem>>)
    %dma_wait3A_138 = arith.constant 1280 : i32
    %dma_wait3A_139 = tpu.memref_slice %arg6[%dma_wait3A_138] : memref<1536xi32, #tpu.memory_space<vmem>> -> memref<128xi32, #tpu.memory_space<vmem>>
    %dma_wait3A_140 = arith.constant 1280 : i32
    %dma_wait3A_141 = tpu.memref_slice %arg5[%dma_wait3A_140] : memref<1536xi32, #tpu.memory_space<vmem>> -> memref<128xi32, #tpu.memory_space<vmem>>
    %dma_wait3A_142 = arith.constant 0 : i32
    %dma_wait3A_143 = tpu.memref_slice %arg2[%dma_wait3A_142] : memref<49152xi32, #tpu.memory_space<hbm>> -> memref<49152xi32, #tpu.memory_space<hbm>>
    tpu.wait_indirect_dma semaphore(%arg9 : memref<!tpu.dma_semaphore, #tpu.memory_space<semaphore_mem>>) src(%dma_wait3A_143 : memref<49152xi32, #tpu.memory_space<hbm>>) dst(%dma_wait3A_139 : memref<128xi32, #tpu.memory_space<vmem>>)
    %dma_wait3A_144 = arith.constant 1408 : i32
    %dma_wait3A_145 = tpu.memref_slice %arg6[%dma_wait3A_144] : memref<1536xi32, #tpu.memory_space<vmem>> -> memref<128xi32, #tpu.memory_space<vmem>>
    %dma_wait3A_146 = arith.constant 1408 : i32
    %dma_wait3A_147 = tpu.memref_slice %arg5[%dma_wait3A_146] : memref<1536xi32, #tpu.memory_space<vmem>> -> memref<128xi32, #tpu.memory_space<vmem>>
    %dma_wait3A_148 = arith.constant 0 : i32
    %dma_wait3A_149 = tpu.memref_slice %arg2[%dma_wait3A_148] : memref<49152xi32, #tpu.memory_space<hbm>> -> memref<49152xi32, #tpu.memory_space<hbm>>
    tpu.wait_indirect_dma semaphore(%arg9 : memref<!tpu.dma_semaphore, #tpu.memory_space<semaphore_mem>>) src(%dma_wait3A_149 : memref<49152xi32, #tpu.memory_space<hbm>>) dst(%dma_wait3A_145 : memref<128xi32, #tpu.memory_space<vmem>>)
    %dma_start3A_150 = arith.constant 0 : i32
    %dma_start3A_151 = tpu.memref_slice %arg7[%dma_start3A_150] : memref<1536xi32, #tpu.memory_space<vmem>> -> memref<128xi32, #tpu.memory_space<vmem>>
    %dma_start3A_152 = arith.constant 0 : i32
    %dma_start3A_153 = tpu.memref_slice %arg6[%dma_start3A_152] : memref<1536xi32, #tpu.memory_space<vmem>> -> memref<128xi32, #tpu.memory_space<vmem>>
    %dma_start3A_154 = arith.constant 0 : i32
    %dma_start3A_155 = tpu.memref_slice %arg3[%dma_start3A_154] : memref<49152xi32, #tpu.memory_space<hbm>> -> memref<49152xi32, #tpu.memory_space<hbm>>
    tpu.enqueue_indirect_dma source(%dma_start3A_155 : memref<49152xi32, #tpu.memory_space<hbm>>) target(%dma_start3A_151 : memref<128xi32, #tpu.memory_space<vmem>>) offsets(%dma_start3A_153 : memref<128xi32, #tpu.memory_space<vmem>>) semaphore(%arg9 : memref<!tpu.dma_semaphore, #tpu.memory_space<semaphore_mem>>)
    %dma_start3A_156 = arith.constant 128 : i32
    %dma_start3A_157 = tpu.memref_slice %arg7[%dma_start3A_156] : memref<1536xi32, #tpu.memory_space<vmem>> -> memref<128xi32, #tpu.memory_space<vmem>>
    %dma_start3A_158 = arith.constant 128 : i32
    %dma_start3A_159 = tpu.memref_slice %arg6[%dma_start3A_158] : memref<1536xi32, #tpu.memory_space<vmem>> -> memref<128xi32, #tpu.memory_space<vmem>>
    %dma_start3A_160 = arith.constant 0 : i32
    %dma_start3A_161 = tpu.memref_slice %arg3[%dma_start3A_160] : memref<49152xi32, #tpu.memory_space<hbm>> -> memref<49152xi32, #tpu.memory_space<hbm>>
    tpu.enqueue_indirect_dma source(%dma_start3A_161 : memref<49152xi32, #tpu.memory_space<hbm>>) target(%dma_start3A_157 : memref<128xi32, #tpu.memory_space<vmem>>) offsets(%dma_start3A_159 : memref<128xi32, #tpu.memory_space<vmem>>) semaphore(%arg9 : memref<!tpu.dma_semaphore, #tpu.memory_space<semaphore_mem>>)
    %dma_start3A_162 = arith.constant 256 : i32
    %dma_start3A_163 = tpu.memref_slice %arg7[%dma_start3A_162] : memref<1536xi32, #tpu.memory_space<vmem>> -> memref<128xi32, #tpu.memory_space<vmem>>
    %dma_start3A_164 = arith.constant 256 : i32
    %dma_start3A_165 = tpu.memref_slice %arg6[%dma_start3A_164] : memref<1536xi32, #tpu.memory_space<vmem>> -> memref<128xi32, #tpu.memory_space<vmem>>
    %dma_start3A_166 = arith.constant 0 : i32
    %dma_start3A_167 = tpu.memref_slice %arg3[%dma_start3A_166] : memref<49152xi32, #tpu.memory_space<hbm>> -> memref<49152xi32, #tpu.memory_space<hbm>>
    tpu.enqueue_indirect_dma source(%dma_start3A_167 : memref<49152xi32, #tpu.memory_space<hbm>>) target(%dma_start3A_163 : memref<128xi32, #tpu.memory_space<vmem>>) offsets(%dma_start3A_165 : memref<128xi32, #tpu.memory_space<vmem>>) semaphore(%arg9 : memref<!tpu.dma_semaphore, #tpu.memory_space<semaphore_mem>>)
    %dma_start3A_168 = arith.constant 384 : i32
    %dma_start3A_169 = tpu.memref_slice %arg7[%dma_start3A_168] : memref<1536xi32, #tpu.memory_space<vmem>> -> memref<128xi32, #tpu.memory_space<vmem>>
    %dma_start3A_170 = arith.constant 384 : i32
    %dma_start3A_171 = tpu.memref_slice %arg6[%dma_start3A_170] : memref<1536xi32, #tpu.memory_space<vmem>> -> memref<128xi32, #tpu.memory_space<vmem>>
    %dma_start3A_172 = arith.constant 0 : i32
    %dma_start3A_173 = tpu.memref_slice %arg3[%dma_start3A_172] : memref<49152xi32, #tpu.memory_space<hbm>> -> memref<49152xi32, #tpu.memory_space<hbm>>
    tpu.enqueue_indirect_dma source(%dma_start3A_173 : memref<49152xi32, #tpu.memory_space<hbm>>) target(%dma_start3A_169 : memref<128xi32, #tpu.memory_space<vmem>>) offsets(%dma_start3A_171 : memref<128xi32, #tpu.memory_space<vmem>>) semaphore(%arg9 : memref<!tpu.dma_semaphore, #tpu.memory_space<semaphore_mem>>)
    %dma_start3A_174 = arith.constant 512 : i32
    %dma_start3A_175 = tpu.memref_slice %arg7[%dma_start3A_174] : memref<1536xi32, #tpu.memory_space<vmem>> -> memref<128xi32, #tpu.memory_space<vmem>>
    %dma_start3A_176 = arith.constant 512 : i32
    %dma_start3A_177 = tpu.memref_slice %arg6[%dma_start3A_176] : memref<1536xi32, #tpu.memory_space<vmem>> -> memref<128xi32, #tpu.memory_space<vmem>>
    %dma_start3A_178 = arith.constant 0 : i32
    %dma_start3A_179 = tpu.memref_slice %arg3[%dma_start3A_178] : memref<49152xi32, #tpu.memory_space<hbm>> -> memref<49152xi32, #tpu.memory_space<hbm>>
    tpu.enqueue_indirect_dma source(%dma_start3A_179 : memref<49152xi32, #tpu.memory_space<hbm>>) target(%dma_start3A_175 : memref<128xi32, #tpu.memory_space<vmem>>) offsets(%dma_start3A_177 : memref<128xi32, #tpu.memory_space<vmem>>) semaphore(%arg9 : memref<!tpu.dma_semaphore, #tpu.memory_space<semaphore_mem>>)
    %dma_start3A_180 = arith.constant 640 : i32
    %dma_start3A_181 = tpu.memref_slice %arg7[%dma_start3A_180] : memref<1536xi32, #tpu.memory_space<vmem>> -> memref<128xi32, #tpu.memory_space<vmem>>
    %dma_start3A_182 = arith.constant 640 : i32
    %dma_start3A_183 = tpu.memref_slice %arg6[%dma_start3A_182] : memref<1536xi32, #tpu.memory_space<vmem>> -> memref<128xi32, #tpu.memory_space<vmem>>
    %dma_start3A_184 = arith.constant 0 : i32
    %dma_start3A_185 = tpu.memref_slice %arg3[%dma_start3A_184] : memref<49152xi32, #tpu.memory_space<hbm>> -> memref<49152xi32, #tpu.memory_space<hbm>>
    tpu.enqueue_indirect_dma source(%dma_start3A_185 : memref<49152xi32, #tpu.memory_space<hbm>>) target(%dma_start3A_181 : memref<128xi32, #tpu.memory_space<vmem>>) offsets(%dma_start3A_183 : memref<128xi32, #tpu.memory_space<vmem>>) semaphore(%arg9 : memref<!tpu.dma_semaphore, #tpu.memory_space<semaphore_mem>>)
    %dma_start3A_186 = arith.constant 768 : i32
    %dma_start3A_187 = tpu.memref_slice %arg7[%dma_start3A_186] : memref<1536xi32, #tpu.memory_space<vmem>> -> memref<128xi32, #tpu.memory_space<vmem>>
    %dma_start3A_188 = arith.constant 768 : i32
    %dma_start3A_189 = tpu.memref_slice %arg6[%dma_start3A_188] : memref<1536xi32, #tpu.memory_space<vmem>> -> memref<128xi32, #tpu.memory_space<vmem>>
    %dma_start3A_190 = arith.constant 0 : i32
    %dma_start3A_191 = tpu.memref_slice %arg3[%dma_start3A_190] : memref<49152xi32, #tpu.memory_space<hbm>> -> memref<49152xi32, #tpu.memory_space<hbm>>
    tpu.enqueue_indirect_dma source(%dma_start3A_191 : memref<49152xi32, #tpu.memory_space<hbm>>) target(%dma_start3A_187 : memref<128xi32, #tpu.memory_space<vmem>>) offsets(%dma_start3A_189 : memref<128xi32, #tpu.memory_space<vmem>>) semaphore(%arg9 : memref<!tpu.dma_semaphore, #tpu.memory_space<semaphore_mem>>)
    %dma_start3A_192 = arith.constant 896 : i32
    %dma_start3A_193 = tpu.memref_slice %arg7[%dma_start3A_192] : memref<1536xi32, #tpu.memory_space<vmem>> -> memref<128xi32, #tpu.memory_space<vmem>>
    %dma_start3A_194 = arith.constant 896 : i32
    %dma_start3A_195 = tpu.memref_slice %arg6[%dma_start3A_194] : memref<1536xi32, #tpu.memory_space<vmem>> -> memref<128xi32, #tpu.memory_space<vmem>>
    %dma_start3A_196 = arith.constant 0 : i32
    %dma_start3A_197 = tpu.memref_slice %arg3[%dma_start3A_196] : memref<49152xi32, #tpu.memory_space<hbm>> -> memref<49152xi32, #tpu.memory_space<hbm>>
    tpu.enqueue_indirect_dma source(%dma_start3A_197 : memref<49152xi32, #tpu.memory_space<hbm>>) target(%dma_start3A_193 : memref<128xi32, #tpu.memory_space<vmem>>) offsets(%dma_start3A_195 : memref<128xi32, #tpu.memory_space<vmem>>) semaphore(%arg9 : memref<!tpu.dma_semaphore, #tpu.memory_space<semaphore_mem>>)
    %dma_start3A_198 = arith.constant 1024 : i32
    %dma_start3A_199 = tpu.memref_slice %arg7[%dma_start3A_198] : memref<1536xi32, #tpu.memory_space<vmem>> -> memref<128xi32, #tpu.memory_space<vmem>>
    %dma_start3A_200 = arith.constant 1024 : i32
    %dma_start3A_201 = tpu.memref_slice %arg6[%dma_start3A_200] : memref<1536xi32, #tpu.memory_space<vmem>> -> memref<128xi32, #tpu.memory_space<vmem>>
    %dma_start3A_202 = arith.constant 0 : i32
    %dma_start3A_203 = tpu.memref_slice %arg3[%dma_start3A_202] : memref<49152xi32, #tpu.memory_space<hbm>> -> memref<49152xi32, #tpu.memory_space<hbm>>
    tpu.enqueue_indirect_dma source(%dma_start3A_203 : memref<49152xi32, #tpu.memory_space<hbm>>) target(%dma_start3A_199 : memref<128xi32, #tpu.memory_space<vmem>>) offsets(%dma_start3A_201 : memref<128xi32, #tpu.memory_space<vmem>>) semaphore(%arg9 : memref<!tpu.dma_semaphore, #tpu.memory_space<semaphore_mem>>)
    %dma_start3A_204 = arith.constant 1152 : i32
    %dma_start3A_205 = tpu.memref_slice %arg7[%dma_start3A_204] : memref<1536xi32, #tpu.memory_space<vmem>> -> memref<128xi32, #tpu.memory_space<vmem>>
    %dma_start3A_206 = arith.constant 1152 : i32
    %dma_start3A_207 = tpu.memref_slice %arg6[%dma_start3A_206] : memref<1536xi32, #tpu.memory_space<vmem>> -> memref<128xi32, #tpu.memory_space<vmem>>
    %dma_start3A_208 = arith.constant 0 : i32
    %dma_start3A_209 = tpu.memref_slice %arg3[%dma_start3A_208] : memref<49152xi32, #tpu.memory_space<hbm>> -> memref<49152xi32, #tpu.memory_space<hbm>>
    tpu.enqueue_indirect_dma source(%dma_start3A_209 : memref<49152xi32, #tpu.memory_space<hbm>>) target(%dma_start3A_205 : memref<128xi32, #tpu.memory_space<vmem>>) offsets(%dma_start3A_207 : memref<128xi32, #tpu.memory_space<vmem>>) semaphore(%arg9 : memref<!tpu.dma_semaphore, #tpu.memory_space<semaphore_mem>>)
    %dma_start3A_210 = arith.constant 1280 : i32
    %dma_start3A_211 = tpu.memref_slice %arg7[%dma_start3A_210] : memref<1536xi32, #tpu.memory_space<vmem>> -> memref<128xi32, #tpu.memory_space<vmem>>
    %dma_start3A_212 = arith.constant 1280 : i32
    %dma_start3A_213 = tpu.memref_slice %arg6[%dma_start3A_212] : memref<1536xi32, #tpu.memory_space<vmem>> -> memref<128xi32, #tpu.memory_space<vmem>>
    %dma_start3A_214 = arith.constant 0 : i32
    %dma_start3A_215 = tpu.memref_slice %arg3[%dma_start3A_214] : memref<49152xi32, #tpu.memory_space<hbm>> -> memref<49152xi32, #tpu.memory_space<hbm>>
    tpu.enqueue_indirect_dma source(%dma_start3A_215 : memref<49152xi32, #tpu.memory_space<hbm>>) target(%dma_start3A_211 : memref<128xi32, #tpu.memory_space<vmem>>) offsets(%dma_start3A_213 : memref<128xi32, #tpu.memory_space<vmem>>) semaphore(%arg9 : memref<!tpu.dma_semaphore, #tpu.memory_space<semaphore_mem>>)
    %dma_start3A_216 = arith.constant 1408 : i32
    %dma_start3A_217 = tpu.memref_slice %arg7[%dma_start3A_216] : memref<1536xi32, #tpu.memory_space<vmem>> -> memref<128xi32, #tpu.memory_space<vmem>>
    %dma_start3A_218 = arith.constant 1408 : i32
    %dma_start3A_219 = tpu.memref_slice %arg6[%dma_start3A_218] : memref<1536xi32, #tpu.memory_space<vmem>> -> memref<128xi32, #tpu.memory_space<vmem>>
    %dma_start3A_220 = arith.constant 0 : i32
    %dma_start3A_221 = tpu.memref_slice %arg3[%dma_start3A_220] : memref<49152xi32, #tpu.memory_space<hbm>> -> memref<49152xi32, #tpu.memory_space<hbm>>
    tpu.enqueue_indirect_dma source(%dma_start3A_221 : memref<49152xi32, #tpu.memory_space<hbm>>) target(%dma_start3A_217 : memref<128xi32, #tpu.memory_space<vmem>>) offsets(%dma_start3A_219 : memref<128xi32, #tpu.memory_space<vmem>>) semaphore(%arg9 : memref<!tpu.dma_semaphore, #tpu.memory_space<semaphore_mem>>)
    %dma_wait3A_222 = arith.constant 0 : i32
    %dma_wait3A_223 = tpu.memref_slice %arg7[%dma_wait3A_222] : memref<1536xi32, #tpu.memory_space<vmem>> -> memref<128xi32, #tpu.memory_space<vmem>>
    %dma_wait3A_224 = arith.constant 0 : i32
    %dma_wait3A_225 = tpu.memref_slice %arg6[%dma_wait3A_224] : memref<1536xi32, #tpu.memory_space<vmem>> -> memref<128xi32, #tpu.memory_space<vmem>>
    %dma_wait3A_226 = arith.constant 0 : i32
    %dma_wait3A_227 = tpu.memref_slice %arg3[%dma_wait3A_226] : memref<49152xi32, #tpu.memory_space<hbm>> -> memref<49152xi32, #tpu.memory_space<hbm>>
    tpu.wait_indirect_dma semaphore(%arg9 : memref<!tpu.dma_semaphore, #tpu.memory_space<semaphore_mem>>) src(%dma_wait3A_227 : memref<49152xi32, #tpu.memory_space<hbm>>) dst(%dma_wait3A_223 : memref<128xi32, #tpu.memory_space<vmem>>)
    %dma_wait3A_228 = arith.constant 128 : i32
    %dma_wait3A_229 = tpu.memref_slice %arg7[%dma_wait3A_228] : memref<1536xi32, #tpu.memory_space<vmem>> -> memref<128xi32, #tpu.memory_space<vmem>>
    %dma_wait3A_230 = arith.constant 128 : i32
    %dma_wait3A_231 = tpu.memref_slice %arg6[%dma_wait3A_230] : memref<1536xi32, #tpu.memory_space<vmem>> -> memref<128xi32, #tpu.memory_space<vmem>>
    %dma_wait3A_232 = arith.constant 0 : i32
    %dma_wait3A_233 = tpu.memref_slice %arg3[%dma_wait3A_232] : memref<49152xi32, #tpu.memory_space<hbm>> -> memref<49152xi32, #tpu.memory_space<hbm>>
    tpu.wait_indirect_dma semaphore(%arg9 : memref<!tpu.dma_semaphore, #tpu.memory_space<semaphore_mem>>) src(%dma_wait3A_233 : memref<49152xi32, #tpu.memory_space<hbm>>) dst(%dma_wait3A_229 : memref<128xi32, #tpu.memory_space<vmem>>)
    %dma_wait3A_234 = arith.constant 256 : i32
    %dma_wait3A_235 = tpu.memref_slice %arg7[%dma_wait3A_234] : memref<1536xi32, #tpu.memory_space<vmem>> -> memref<128xi32, #tpu.memory_space<vmem>>
    %dma_wait3A_236 = arith.constant 256 : i32
    %dma_wait3A_237 = tpu.memref_slice %arg6[%dma_wait3A_236] : memref<1536xi32, #tpu.memory_space<vmem>> -> memref<128xi32, #tpu.memory_space<vmem>>
    %dma_wait3A_238 = arith.constant 0 : i32
    %dma_wait3A_239 = tpu.memref_slice %arg3[%dma_wait3A_238] : memref<49152xi32, #tpu.memory_space<hbm>> -> memref<49152xi32, #tpu.memory_space<hbm>>
    tpu.wait_indirect_dma semaphore(%arg9 : memref<!tpu.dma_semaphore, #tpu.memory_space<semaphore_mem>>) src(%dma_wait3A_239 : memref<49152xi32, #tpu.memory_space<hbm>>) dst(%dma_wait3A_235 : memref<128xi32, #tpu.memory_space<vmem>>)
    %dma_wait3A_240 = arith.constant 384 : i32
    %dma_wait3A_241 = tpu.memref_slice %arg7[%dma_wait3A_240] : memref<1536xi32, #tpu.memory_space<vmem>> -> memref<128xi32, #tpu.memory_space<vmem>>
    %dma_wait3A_242 = arith.constant 384 : i32
    %dma_wait3A_243 = tpu.memref_slice %arg6[%dma_wait3A_242] : memref<1536xi32, #tpu.memory_space<vmem>> -> memref<128xi32, #tpu.memory_space<vmem>>
    %dma_wait3A_244 = arith.constant 0 : i32
    %dma_wait3A_245 = tpu.memref_slice %arg3[%dma_wait3A_244] : memref<49152xi32, #tpu.memory_space<hbm>> -> memref<49152xi32, #tpu.memory_space<hbm>>
    tpu.wait_indirect_dma semaphore(%arg9 : memref<!tpu.dma_semaphore, #tpu.memory_space<semaphore_mem>>) src(%dma_wait3A_245 : memref<49152xi32, #tpu.memory_space<hbm>>) dst(%dma_wait3A_241 : memref<128xi32, #tpu.memory_space<vmem>>)
    %dma_wait3A_246 = arith.constant 512 : i32
    %dma_wait3A_247 = tpu.memref_slice %arg7[%dma_wait3A_246] : memref<1536xi32, #tpu.memory_space<vmem>> -> memref<128xi32, #tpu.memory_space<vmem>>
    %dma_wait3A_248 = arith.constant 512 : i32
    %dma_wait3A_249 = tpu.memref_slice %arg6[%dma_wait3A_248] : memref<1536xi32, #tpu.memory_space<vmem>> -> memref<128xi32, #tpu.memory_space<vmem>>
    %dma_wait3A_250 = arith.constant 0 : i32
    %dma_wait3A_251 = tpu.memref_slice %arg3[%dma_wait3A_250] : memref<49152xi32, #tpu.memory_space<hbm>> -> memref<49152xi32, #tpu.memory_space<hbm>>
    tpu.wait_indirect_dma semaphore(%arg9 : memref<!tpu.dma_semaphore, #tpu.memory_space<semaphore_mem>>) src(%dma_wait3A_251 : memref<49152xi32, #tpu.memory_space<hbm>>) dst(%dma_wait3A_247 : memref<128xi32, #tpu.memory_space<vmem>>)
    %dma_wait3A_252 = arith.constant 640 : i32
    %dma_wait3A_253 = tpu.memref_slice %arg7[%dma_wait3A_252] : memref<1536xi32, #tpu.memory_space<vmem>> -> memref<128xi32, #tpu.memory_space<vmem>>
    %dma_wait3A_254 = arith.constant 640 : i32
    %dma_wait3A_255 = tpu.memref_slice %arg6[%dma_wait3A_254] : memref<1536xi32, #tpu.memory_space<vmem>> -> memref<128xi32, #tpu.memory_space<vmem>>
    %dma_wait3A_256 = arith.constant 0 : i32
    %dma_wait3A_257 = tpu.memref_slice %arg3[%dma_wait3A_256] : memref<49152xi32, #tpu.memory_space<hbm>> -> memref<49152xi32, #tpu.memory_space<hbm>>
    tpu.wait_indirect_dma semaphore(%arg9 : memref<!tpu.dma_semaphore, #tpu.memory_space<semaphore_mem>>) src(%dma_wait3A_257 : memref<49152xi32, #tpu.memory_space<hbm>>) dst(%dma_wait3A_253 : memref<128xi32, #tpu.memory_space<vmem>>)
    %dma_wait3A_258 = arith.constant 768 : i32
    %dma_wait3A_259 = tpu.memref_slice %arg7[%dma_wait3A_258] : memref<1536xi32, #tpu.memory_space<vmem>> -> memref<128xi32, #tpu.memory_space<vmem>>
    %dma_wait3A_260 = arith.constant 768 : i32
    %dma_wait3A_261 = tpu.memref_slice %arg6[%dma_wait3A_260] : memref<1536xi32, #tpu.memory_space<vmem>> -> memref<128xi32, #tpu.memory_space<vmem>>
    %dma_wait3A_262 = arith.constant 0 : i32
    %dma_wait3A_263 = tpu.memref_slice %arg3[%dma_wait3A_262] : memref<49152xi32, #tpu.memory_space<hbm>> -> memref<49152xi32, #tpu.memory_space<hbm>>
    tpu.wait_indirect_dma semaphore(%arg9 : memref<!tpu.dma_semaphore, #tpu.memory_space<semaphore_mem>>) src(%dma_wait3A_263 : memref<49152xi32, #tpu.memory_space<hbm>>) dst(%dma_wait3A_259 : memref<128xi32, #tpu.memory_space<vmem>>)
    %dma_wait3A_264 = arith.constant 896 : i32
    %dma_wait3A_265 = tpu.memref_slice %arg7[%dma_wait3A_264] : memref<1536xi32, #tpu.memory_space<vmem>> -> memref<128xi32, #tpu.memory_space<vmem>>
    %dma_wait3A_266 = arith.constant 896 : i32
    %dma_wait3A_267 = tpu.memref_slice %arg6[%dma_wait3A_266] : memref<1536xi32, #tpu.memory_space<vmem>> -> memref<128xi32, #tpu.memory_space<vmem>>
    %dma_wait3A_268 = arith.constant 0 : i32
    %dma_wait3A_269 = tpu.memref_slice %arg3[%dma_wait3A_268] : memref<49152xi32, #tpu.memory_space<hbm>> -> memref<49152xi32, #tpu.memory_space<hbm>>
    tpu.wait_indirect_dma semaphore(%arg9 : memref<!tpu.dma_semaphore, #tpu.memory_space<semaphore_mem>>) src(%dma_wait3A_269 : memref<49152xi32, #tpu.memory_space<hbm>>) dst(%dma_wait3A_265 : memref<128xi32, #tpu.memory_space<vmem>>)
    %dma_wait3A_270 = arith.constant 1024 : i32
    %dma_wait3A_271 = tpu.memref_slice %arg7[%dma_wait3A_270] : memref<1536xi32, #tpu.memory_space<vmem>> -> memref<128xi32, #tpu.memory_space<vmem>>
    %dma_wait3A_272 = arith.constant 1024 : i32
    %dma_wait3A_273 = tpu.memref_slice %arg6[%dma_wait3A_272] : memref<1536xi32, #tpu.memory_space<vmem>> -> memref<128xi32, #tpu.memory_space<vmem>>
    %dma_wait3A_274 = arith.constant 0 : i32
    %dma_wait3A_275 = tpu.memref_slice %arg3[%dma_wait3A_274] : memref<49152xi32, #tpu.memory_space<hbm>> -> memref<49152xi32, #tpu.memory_space<hbm>>
    tpu.wait_indirect_dma semaphore(%arg9 : memref<!tpu.dma_semaphore, #tpu.memory_space<semaphore_mem>>) src(%dma_wait3A_275 : memref<49152xi32, #tpu.memory_space<hbm>>) dst(%dma_wait3A_271 : memref<128xi32, #tpu.memory_space<vmem>>)
    %dma_wait3A_276 = arith.constant 1152 : i32
    %dma_wait3A_277 = tpu.memref_slice %arg7[%dma_wait3A_276] : memref<1536xi32, #tpu.memory_space<vmem>> -> memref<128xi32, #tpu.memory_space<vmem>>
    %dma_wait3A_278 = arith.constant 1152 : i32
    %dma_wait3A_279 = tpu.memref_slice %arg6[%dma_wait3A_278] : memref<1536xi32, #tpu.memory_space<vmem>> -> memref<128xi32, #tpu.memory_space<vmem>>
    %dma_wait3A_280 = arith.constant 0 : i32
    %dma_wait3A_281 = tpu.memref_slice %arg3[%dma_wait3A_280] : memref<49152xi32, #tpu.memory_space<hbm>> -> memref<49152xi32, #tpu.memory_space<hbm>>
    tpu.wait_indirect_dma semaphore(%arg9 : memref<!tpu.dma_semaphore, #tpu.memory_space<semaphore_mem>>) src(%dma_wait3A_281 : memref<49152xi32, #tpu.memory_space<hbm>>) dst(%dma_wait3A_277 : memref<128xi32, #tpu.memory_space<vmem>>)
    %dma_wait3A_282 = arith.constant 1280 : i32
    %dma_wait3A_283 = tpu.memref_slice %arg7[%dma_wait3A_282] : memref<1536xi32, #tpu.memory_space<vmem>> -> memref<128xi32, #tpu.memory_space<vmem>>
    %dma_wait3A_284 = arith.constant 1280 : i32
    %dma_wait3A_285 = tpu.memref_slice %arg6[%dma_wait3A_284] : memref<1536xi32, #tpu.memory_space<vmem>> -> memref<128xi32, #tpu.memory_space<vmem>>
    %dma_wait3A_286 = arith.constant 0 : i32
    %dma_wait3A_287 = tpu.memref_slice %arg3[%dma_wait3A_286] : memref<49152xi32, #tpu.memory_space<hbm>> -> memref<49152xi32, #tpu.memory_space<hbm>>
    tpu.wait_indirect_dma semaphore(%arg9 : memref<!tpu.dma_semaphore, #tpu.memory_space<semaphore_mem>>) src(%dma_wait3A_287 : memref<49152xi32, #tpu.memory_space<hbm>>) dst(%dma_wait3A_283 : memref<128xi32, #tpu.memory_space<vmem>>)
    %dma_wait3A_288 = arith.constant 1408 : i32
    %dma_wait3A_289 = tpu.memref_slice %arg7[%dma_wait3A_288] : memref<1536xi32, #tpu.memory_space<vmem>> -> memref<128xi32, #tpu.memory_space<vmem>>
    %dma_wait3A_290 = arith.constant 1408 : i32
    %dma_wait3A_291 = tpu.memref_slice %arg6[%dma_wait3A_290] : memref<1536xi32, #tpu.memory_space<vmem>> -> memref<128xi32, #tpu.memory_space<vmem>>
    %dma_wait3A_292 = arith.constant 0 : i32
    %dma_wait3A_293 = tpu.memref_slice %arg3[%dma_wait3A_292] : memref<49152xi32, #tpu.memory_space<hbm>> -> memref<49152xi32, #tpu.memory_space<hbm>>
    tpu.wait_indirect_dma semaphore(%arg9 : memref<!tpu.dma_semaphore, #tpu.memory_space<semaphore_mem>>) src(%dma_wait3A_293 : memref<49152xi32, #tpu.memory_space<hbm>>) dst(%dma_wait3A_289 : memref<128xi32, #tpu.memory_space<vmem>>)
    %scan3A_294 = arith.constant 0 : i32
    %scan3A_295 = arith.constant 0 : i32
    %scan3A_296 = arith.constant 96 : i32
    %scan3A_297 = arith.addi %scan3A_295, %scan3A_296 : i32
    %scan3A_298 = arith.constant 1 : i32
    scf.for %scan3A_300 = %scan3A_295 to %scan3A_297 step %scan3A_298  : i32 {
      %mul3A_301 = arith.constant 16 : i32
      %mul3A_302 = arith.muli %scan3A_300, %mul3A_301 : i32
      %get3A = arith.index_cast %mul3A_302 : i32 to index
      %get3A_303 = tpu.vector_load %arg7[%get3A] {strides = array<i32>} : memref<1536xi32, #tpu.memory_space<vmem>>, vector<16xi32>,
      %get3A_304 = vector.shape_cast %get3A_303 : vector<16xi32> to vector<16xi32>
      %ge3A = arith.constant 24576 : i32
      %ge3A_305 = vector.broadcast %ge3A : i32 to vector<16xi32>
      %ge3A_306 = arith.cmpi sge, %get3A_304, %ge3A_305 : vector<16xi32>
      %mul3A_307 = arith.constant 2 : i32
      %mul3A_308 = vector.broadcast %mul3A_307 : i32 to vector<16xi32>
      %mul3A_309 = arith.muli %mul3A_308, %get3A_304 : vector<16xi32>
      %sub3A = arith.constant 49151 : i32
      %sub3A_310 = vector.broadcast %sub3A : i32 to vector<16xi32>
      %sub3A_311 = arith.subi %mul3A_309, %sub3A_310 : vector<16xi32>
      %mul3A_312 = arith.constant 2 : i32
      %mul3A_313 = vector.broadcast %mul3A_312 : i32 to vector<16xi32>
      %mul3A_314 = arith.muli %mul3A_313, %get3A_304 : vector<16xi32>
      %select_n3A = arith.select %ge3A_306, %sub3A_311, %mul3A_314 : vector<16xi1>, vector<16xi32>
      %mul3A_315 = arith.constant 16 : i32
      %mul3A_316 = arith.muli %scan3A_300, %mul3A_315 : i32
      %swap3A = arith.index_cast %mul3A_316 : i32 to index
      %swap3A_317 = tpu.vector_load %arg8[%swap3A] {strides = array<i32>} : memref<1536xi32, #tpu.memory_space<vmem>>, vector<16xi32>,
      %swap3A_318 = vector.shape_cast %swap3A_317 : vector<16xi32> to vector<16xi32>
      %swap3A_319 = vector.shape_cast %select_n3A : vector<16xi32> to vector<16xi32>
      tpu.vector_store %arg8[%swap3A], %swap3A_319 {strides = array<i32>} : memref<1536xi32, #tpu.memory_space<vmem>>, vector<16xi32>,
    }
    %scan3A_299 = arith.constant 96 : i32
    "tpu.region"() ({
      %run_scoped3A = tpu.sem_alloc : memref<!tpu.dma_semaphore, #tpu.memory_space<semaphore_mem>>
      %dma_start3A_300 = tpu.memref_slice %arg4[%mul3A_2] : memref<49152xi32, #tpu.memory_space<hbm>> -> memref<1536xi32, #tpu.memory_space<hbm>>
      %dma_start3A_301 = tpu.memref_slice %arg4[%mul3A_2] : memref<49152xi32, #tpu.memory_space<hbm>> -> memref<1536xi32, #tpu.memory_space<hbm>>
      tpu.enqueue_dma source(%arg8 : memref<1536xi32, #tpu.memory_space<vmem>>) target(%dma_start3A_301 : memref<1536xi32, #tpu.memory_space<hbm>>) target_semaphore(%run_scoped3A : memref<!tpu.dma_semaphore, #tpu.memory_space<semaphore_mem>>)
      %dma_wait3A_302 = tpu.memref_slice %arg4[%mul3A_2] : memref<49152xi32, #tpu.memory_space<hbm>> -> memref<1536xi32, #tpu.memory_space<hbm>>
      %dma_wait3A_303 = tpu.memref_slice %arg4[%mul3A_2] : memref<49152xi32, #tpu.memory_space<hbm>> -> memref<1536xi32, #tpu.memory_space<hbm>>
      tpu.wait_dma2 semaphore(%run_scoped3A : memref<!tpu.dma_semaphore, #tpu.memory_space<semaphore_mem>>) src(%arg8 : memref<1536xi32, #tpu.memory_space<vmem>>) dst(%dma_wait3A_303 : memref<1536xi32, #tpu.memory_space<hbm>>)
      tpu.yield
    }) : () -> ()
    return
  }
}

module attributes {stable_mosaic.version = 14 : i64} {
  func.func @_mm_body(%arg0: i32, %arg1: memref<64x8192xf32, #tpu.memory_space<vmem>>, %arg2: memref<64x8192xf32, #tpu.memory_space<vmem>>, %arg3: memref<64x64xf32, #tpu.memory_space<vmem>>, %arg4: memref<64x64xf32, #tpu.memory_space<vmem>>, %arg5: memref<64x64xf32, #tpu.memory_space<vmem>>, %arg6: memref<8192x128xf32, #tpu.memory_space<vmem>>) attributes {dimension_semantics = [#tpu.dimension_semantics<arbitrary>], iteration_bounds = array<i64: 3>, scalar_prefetch = 0 : i64, scratch_operands = 0 : i64, tpu.core_type = #tpu.core_type<tc>, window_params = [{transform_indices = @transform_0, window_bounds = array<i64: 64, 8192>}, {transform_indices = @transform_1, window_bounds = array<i64: 64, 8192>}, {pipeline_mode = #tpu.pipeline_mode<synchronous>, transform_indices = @transform_2, window_bounds = array<i64: 64, 64>}, {pipeline_mode = #tpu.pipeline_mode<synchronous>, transform_indices = @transform_3, window_bounds = array<i64: 64, 64>}, {pipeline_mode = #tpu.pipeline_mode<synchronous>, transform_indices = @transform_4, window_bounds = array<i64: 64, 64>}, {transform_indices = @transform_5, window_bounds = array<i64: 8192, 128>}]} {
    %mul3A = arith.constant 8192 : i32
    %mul3A_0 = arith.muli %arg0, %mul3A : i32
    %jit3A = arith.constant 16384 : i32
    %div3A = arith.divsi %mul3A_0, %jit3A : i32
    %sign3A = arith.constant 0 : i32
    %sign3A_1 = arith.cmpi sgt, %mul3A_0, %sign3A : i32
    %sign3A_2 = arith.extui %sign3A_1 : i1 to i32
    %sign3A_3 = arith.constant 0 : i32
    %sign3A_4 = arith.cmpi slt, %mul3A_0, %sign3A_3 : i32
    %sign3A_5 = arith.extui %sign3A_4 : i1 to i32
    %sign3A_6 = arith.subi %sign3A_2, %sign3A_5 : i32
    %sign3A_7 = arith.constant 0 : i32
    %sign3A_8 = arith.cmpi sgt, %jit3A, %sign3A_7 : i32
    %sign3A_9 = arith.extui %sign3A_8 : i1 to i32
    %sign3A_10 = arith.constant 0 : i32
    %sign3A_11 = arith.cmpi slt, %jit3A, %sign3A_10 : i32
    %sign3A_12 = arith.extui %sign3A_11 : i1 to i32
    %sign3A_13 = arith.subi %sign3A_9, %sign3A_12 : i32
    %ne3A = arith.cmpi ne, %sign3A_6, %sign3A_13 : i32
    %rem3A = arith.remsi %mul3A_0, %jit3A : i32
    %ne3A_14 = arith.constant 0 : i32
    %ne3A_15 = arith.cmpi ne, %rem3A, %ne3A_14 : i32
    %and3A = arith.andi %ne3A, %ne3A_15 : i1
    %sub3A = arith.constant 1 : i32
    %sub3A_16 = arith.subi %div3A, %sub3A : i32
    %select_n3A = arith.select %and3A, %sub3A_16, %div3A : i32
    %get3A = arith.constant 0 : index
    %get3A_17 = arith.constant 0 : index
    %get3A_18 = vector.load %arg3[%get3A, %get3A_17] : memref<64x64xf32, #tpu.memory_space<vmem>>, vector<64x64xf32>
    %get3A_19 = arith.constant 0 : index
    %get3A_20 = arith.constant 0 : index
    %get3A_21 = vector.load %arg4[%get3A_19, %get3A_20] : memref<64x64xf32, #tpu.memory_space<vmem>>, vector<64x64xf32>
    %get3A_22 = arith.constant 0 : index
    %get3A_23 = arith.constant 0 : index
    %get3A_24 = vector.load %arg5[%get3A_22, %get3A_23] : memref<64x64xf32, #tpu.memory_space<vmem>>, vector<64x64xf32>
    %eq3A = arith.constant 0 : i32
    %eq3A_25 = arith.cmpi eq, %select_n3A, %eq3A : i32
    %eq3A_26 = arith.constant 1 : i32
    %eq3A_27 = arith.cmpi eq, %select_n3A, %eq3A_26 : i32
    %select_n3A_28 = arith.select %eq3A_27, %get3A_21, %get3A_24 : vector<64x64xf32>
    %select_n3A_29 = arith.select %eq3A_25, %get3A_18, %select_n3A_28 : vector<64x64xf32>
    %mul3A_30 = arith.constant 8192 : i32
    %mul3A_31 = arith.muli %arg0, %mul3A_30 : i32
    %add3A = arith.constant 24576 : i32
    %add3A_32 = arith.addi %add3A, %mul3A_31 : i32
    %jit3A_33 = arith.constant 16384 : i32
    %div3A_34 = arith.divsi %add3A_32, %jit3A_33 : i32
    %sign3A_35 = arith.constant 0 : i32
    %sign3A_36 = arith.cmpi sgt, %add3A_32, %sign3A_35 : i32
    %sign3A_37 = arith.extui %sign3A_36 : i1 to i32
    %sign3A_38 = arith.constant 0 : i32
    %sign3A_39 = arith.cmpi slt, %add3A_32, %sign3A_38 : i32
    %sign3A_40 = arith.extui %sign3A_39 : i1 to i32
    %sign3A_41 = arith.subi %sign3A_37, %sign3A_40 : i32
    %sign3A_42 = arith.constant 0 : i32
    %sign3A_43 = arith.cmpi sgt, %jit3A_33, %sign3A_42 : i32
    %sign3A_44 = arith.extui %sign3A_43 : i1 to i32
    %sign3A_45 = arith.constant 0 : i32
    %sign3A_46 = arith.cmpi slt, %jit3A_33, %sign3A_45 : i32
    %sign3A_47 = arith.extui %sign3A_46 : i1 to i32
    %sign3A_48 = arith.subi %sign3A_44, %sign3A_47 : i32
    %ne3A_49 = arith.cmpi ne, %sign3A_41, %sign3A_48 : i32
    %rem3A_50 = arith.remsi %add3A_32, %jit3A_33 : i32
    %ne3A_51 = arith.constant 0 : i32
    %ne3A_52 = arith.cmpi ne, %rem3A_50, %ne3A_51 : i32
    %and3A_53 = arith.andi %ne3A_49, %ne3A_52 : i1
    %sub3A_54 = arith.constant 1 : i32
    %sub3A_55 = arith.subi %div3A_34, %sub3A_54 : i32
    %select_n3A_56 = arith.select %and3A_53, %sub3A_55, %div3A_34 : i32
    %get3A_57 = arith.constant 0 : index
    %get3A_58 = arith.constant 0 : index
    %get3A_59 = vector.load %arg3[%get3A_57, %get3A_58] : memref<64x64xf32, #tpu.memory_space<vmem>>, vector<64x64xf32>
    %get3A_60 = arith.constant 0 : index
    %get3A_61 = arith.constant 0 : index
    %get3A_62 = vector.load %arg4[%get3A_60, %get3A_61] : memref<64x64xf32, #tpu.memory_space<vmem>>, vector<64x64xf32>
    %get3A_63 = arith.constant 0 : index
    %get3A_64 = arith.constant 0 : index
    %get3A_65 = vector.load %arg5[%get3A_63, %get3A_64] : memref<64x64xf32, #tpu.memory_space<vmem>>, vector<64x64xf32>
    %eq3A_66 = arith.constant 0 : i32
    %eq3A_67 = arith.cmpi eq, %select_n3A_56, %eq3A_66 : i32
    %eq3A_68 = arith.constant 1 : i32
    %eq3A_69 = arith.cmpi eq, %select_n3A_56, %eq3A_68 : i32
    %select_n3A_70 = arith.select %eq3A_69, %get3A_62, %get3A_65 : vector<64x64xf32>
    %select_n3A_71 = arith.select %eq3A_67, %get3A_59, %select_n3A_70 : vector<64x64xf32>
    %get3A_72 = arith.constant 0 : index
    %get3A_73 = arith.constant 0 : index
    %get3A_74 = vector.load %arg1[%get3A_72, %get3A_73] : memref<64x8192xf32, #tpu.memory_space<vmem>>, vector<64x8192xf32>
    %dot_general3A = arith.constant dense<0.000000e+00> : vector<8192x64xf32>
    %dot_general3A_75 = tpu.matmul %get3A_74, %select_n3A_29, %dot_general3A {dimension_numbers = #tpu.dot_dimension_numbers<[0], [1], [1], [0], [0, 1, 1, 0], [], []>, transpose_lhs_hint = false} : vector<64x8192xf32>, vector<64x64xf32>, vector<8192x64xf32> -> vector<8192x64xf32>
    %get3A_76 = arith.constant 0 : index
    %get3A_77 = arith.constant 0 : index
    %get3A_78 = vector.load %arg2[%get3A_76, %get3A_77] : memref<64x8192xf32, #tpu.memory_space<vmem>>, vector<64x8192xf32>
    %dot_general3A_79 = arith.constant dense<0.000000e+00> : vector<8192x64xf32>
    %dot_general3A_80 = tpu.matmul %get3A_78, %select_n3A_71, %dot_general3A_79 {dimension_numbers = #tpu.dot_dimension_numbers<[0], [1], [1], [0], [0, 1, 1, 0], [], []>, transpose_lhs_hint = false} : vector<64x8192xf32>, vector<64x64xf32>, vector<8192x64xf32> -> vector<8192x64xf32>
    %swap3A = arith.constant 0 : index
    %swap3A_81 = arith.constant 0 : index
    %swap3A_82 = vector.load %arg6[%swap3A, %swap3A_81] : memref<8192x128xf32, #tpu.memory_space<vmem>>, vector<8192x64xf32>
    tpu.vector_store %arg6[%swap3A, %swap3A_81], %dot_general3A_75 {strides = array<i32>} : memref<8192x128xf32, #tpu.memory_space<vmem>>, vector<8192x64xf32>,
    %swap3A_83 = arith.constant 0 : index
    %swap3A_84 = arith.constant 64 : index
    %swap3A_85 = vector.load %arg6[%swap3A_83, %swap3A_84] : memref<8192x128xf32, #tpu.memory_space<vmem>>, vector<8192x64xf32>
    tpu.vector_store %arg6[%swap3A_83, %swap3A_84], %dot_general3A_80 {strides = array<i32>} : memref<8192x128xf32, #tpu.memory_space<vmem>>, vector<8192x64xf32>,
    return
  }
  func.func @transform_0(%arg0: i32) -> (i32, i32) {
    %c0_i32 = arith.constant 0 : i32
    %c0_i32_0 = arith.constant 0 : i32
    return %c0_i32, %arg0 : i32, i32
  }
  func.func @transform_1(%arg0: i32) -> (i32, i32) {
    %add3A = arith.constant 3 : i32
    %add3A_0 = arith.addi %arg0, %add3A : i32
    %c0_i32 = arith.constant 0 : i32
    %c0_i32_1 = arith.constant 0 : i32
    return %c0_i32, %add3A_0 : i32, i32
  }
  func.func @transform_2(%arg0: i32) -> (i32, i32) {
    %c0_i32 = arith.constant 0 : i32
    %c0_i32_0 = arith.constant 0 : i32
    %c0_i32_1 = arith.constant 0 : i32
    return %c0_i32, %c0_i32_0 : i32, i32
  }
  func.func @transform_3(%arg0: i32) -> (i32, i32) {
    %c0_i32 = arith.constant 0 : i32
    %c0_i32_0 = arith.constant 0 : i32
    %c0_i32_1 = arith.constant 0 : i32
    return %c0_i32, %c0_i32_0 : i32, i32
  }
  func.func @transform_4(%arg0: i32) -> (i32, i32) {
    %c0_i32 = arith.constant 0 : i32
    %c0_i32_0 = arith.constant 0 : i32
    %c0_i32_1 = arith.constant 0 : i32
    return %c0_i32, %c0_i32_0 : i32, i32
  }
  func.func @transform_5(%arg0: i32) -> (i32, i32) {
    %c0_i32 = arith.constant 0 : i32
    %c0_i32_0 = arith.constant 0 : i32
    return %arg0, %c0_i32 : i32, i32
  }
}

module attributes {stable_mosaic.version = 14 : i64} {
  func.func @_tr_body(%arg0: i32, %arg1: memref<12288x128xf32, #tpu.memory_space<vmem>>, %arg2: memref<64x64xf32, #tpu.memory_space<vmem>>, %arg3: memref<64x24576xf32, #tpu.memory_space<vmem>>) attributes {dimension_semantics = [#tpu.dimension_semantics<arbitrary>], iteration_bounds = array<i64: 2>, scalar_prefetch = 0 : i64, scratch_operands = 0 : i64, tpu.core_type = #tpu.core_type<tc>, window_params = [{transform_indices = @transform_0, window_bounds = array<i64: 12288, 128>}, {pipeline_mode = #tpu.pipeline_mode<synchronous>, transform_indices = @transform_1, window_bounds = array<i64: 64, 64>}, {transform_indices = @transform_2, window_bounds = array<i64: 64, 24576>}]} {
    %get3A = arith.constant 0 : index
    %get3A_0 = arith.constant 0 : index
    %get3A_1 = vector.load %arg2[%get3A, %get3A_0] : memref<64x64xf32, #tpu.memory_space<vmem>>, vector<64x64xf32>
    %get3A_2 = arith.constant 0 : index
    %get3A_3 = arith.constant 0 : index
    %get3A_4 = vector.load %arg1[%get3A_2, %get3A_3] : memref<12288x128xf32, #tpu.memory_space<vmem>>, vector<768x128xf32>
    %slice3A = vector.extract_strided_slice %get3A_4 {offsets = [0, 0], sizes = [768, 64], strides = [1, 1]} : vector<768x128xf32> to vector<768x64xf32>
    %dot_general3A = arith.constant dense<0.000000e+00> : vector<64x768xf32>
    %dot_general3A_5 = tpu.matmul %get3A_1, %slice3A, %dot_general3A {dimension_numbers = #tpu.dot_dimension_numbers<[1], [1], [0], [0], [0, 0, 1, 0], [], []>, transpose_lhs_hint = false} : vector<64x64xf32>, vector<768x64xf32>, vector<64x768xf32> -> vector<64x768xf32>
    %swap3A = arith.constant 0 : index
    %swap3A_6 = arith.constant 0 : index
    %swap3A_7 = vector.load %arg3[%swap3A, %swap3A_6] : memref<64x24576xf32, #tpu.memory_space<vmem>>, vector<64x768xf32>
    tpu.vector_store %arg3[%swap3A, %swap3A_6], %dot_general3A_5 {strides = array<i32>} : memref<64x24576xf32, #tpu.memory_space<vmem>>, vector<64x768xf32>,
    %slice3A_8 = vector.extract_strided_slice %get3A_4 {offsets = [0, 64], sizes = [768, 64], strides = [1, 1]} : vector<768x128xf32> to vector<768x64xf32>
    %dot_general3A_9 = arith.constant dense<0.000000e+00> : vector<64x768xf32>
    %dot_general3A_10 = tpu.matmul %get3A_1, %slice3A_8, %dot_general3A_9 {dimension_numbers = #tpu.dot_dimension_numbers<[1], [1], [0], [0], [0, 0, 1, 0], [], []>, transpose_lhs_hint = false} : vector<64x64xf32>, vector<768x64xf32>, vector<64x768xf32> -> vector<64x768xf32>
    %swap3A_11 = arith.constant 0 : index
    %swap3A_12 = arith.constant 768 : index
    %swap3A_13 = vector.load %arg3[%swap3A_11, %swap3A_12] : memref<64x24576xf32, #tpu.memory_space<vmem>>, vector<64x768xf32>
    tpu.vector_store %arg3[%swap3A_11, %swap3A_12], %dot_general3A_10 {strides = array<i32>} : memref<64x24576xf32, #tpu.memory_space<vmem>>, vector<64x768xf32>,
    %get3A_14 = arith.constant 768 : index
    %get3A_15 = arith.constant 0 : index
    %get3A_16 = vector.load %arg1[%get3A_14, %get3A_15] : memref<12288x128xf32, #tpu.memory_space<vmem>>, vector<768x128xf32>
    %slice3A_17 = vector.extract_strided_slice %get3A_16 {offsets = [0, 0], sizes = [768, 64], strides = [1, 1]} : vector<768x128xf32> to vector<768x64xf32>
    %dot_general3A_18 = arith.constant dense<0.000000e+00> : vector<64x768xf32>
    %dot_general3A_19 = tpu.matmul %get3A_1, %slice3A_17, %dot_general3A_18 {dimension_numbers = #tpu.dot_dimension_numbers<[1], [1], [0], [0], [0, 0, 1, 0], [], []>, transpose_lhs_hint = false} : vector<64x64xf32>, vector<768x64xf32>, vector<64x768xf32> -> vector<64x768xf32>
    %swap3A_20 = arith.constant 0 : index
    %swap3A_21 = arith.constant 1536 : index
    %swap3A_22 = vector.load %arg3[%swap3A_20, %swap3A_21] : memref<64x24576xf32, #tpu.memory_space<vmem>>, vector<64x768xf32>
    tpu.vector_store %arg3[%swap3A_20, %swap3A_21], %dot_general3A_19 {strides = array<i32>} : memref<64x24576xf32, #tpu.memory_space<vmem>>, vector<64x768xf32>,
    %slice3A_23 = vector.extract_strided_slice %get3A_16 {offsets = [0, 64], sizes = [768, 64], strides = [1, 1]} : vector<768x128xf32> to vector<768x64xf32>
    %dot_general3A_24 = arith.constant dense<0.000000e+00> : vector<64x768xf32>
    %dot_general3A_25 = tpu.matmul %get3A_1, %slice3A_23, %dot_general3A_24 {dimension_numbers = #tpu.dot_dimension_numbers<[1], [1], [0], [0], [0, 0, 1, 0], [], []>, transpose_lhs_hint = false} : vector<64x64xf32>, vector<768x64xf32>, vector<64x768xf32> -> vector<64x768xf32>
    %swap3A_26 = arith.constant 0 : index
    %swap3A_27 = arith.constant 2304 : index
    %swap3A_28 = vector.load %arg3[%swap3A_26, %swap3A_27] : memref<64x24576xf32, #tpu.memory_space<vmem>>, vector<64x768xf32>
    tpu.vector_store %arg3[%swap3A_26, %swap3A_27], %dot_general3A_25 {strides = array<i32>} : memref<64x24576xf32, #tpu.memory_space<vmem>>, vector<64x768xf32>,
    %get3A_29 = arith.constant 1536 : index
    %get3A_30 = arith.constant 0 : index
    %get3A_31 = vector.load %arg1[%get3A_29, %get3A_30] : memref<12288x128xf32, #tpu.memory_space<vmem>>, vector<768x128xf32>
    %slice3A_32 = vector.extract_strided_slice %get3A_31 {offsets = [0, 0], sizes = [768, 64], strides = [1, 1]} : vector<768x128xf32> to vector<768x64xf32>
    %dot_general3A_33 = arith.constant dense<0.000000e+00> : vector<64x768xf32>
    %dot_general3A_34 = tpu.matmul %get3A_1, %slice3A_32, %dot_general3A_33 {dimension_numbers = #tpu.dot_dimension_numbers<[1], [1], [0], [0], [0, 0, 1, 0], [], []>, transpose_lhs_hint = false} : vector<64x64xf32>, vector<768x64xf32>, vector<64x768xf32> -> vector<64x768xf32>
    %swap3A_35 = arith.constant 0 : index
    %swap3A_36 = arith.constant 3072 : index
    %swap3A_37 = vector.load %arg3[%swap3A_35, %swap3A_36] : memref<64x24576xf32, #tpu.memory_space<vmem>>, vector<64x768xf32>
    tpu.vector_store %arg3[%swap3A_35, %swap3A_36], %dot_general3A_34 {strides = array<i32>} : memref<64x24576xf32, #tpu.memory_space<vmem>>, vector<64x768xf32>,
    %slice3A_38 = vector.extract_strided_slice %get3A_31 {offsets = [0, 64], sizes = [768, 64], strides = [1, 1]} : vector<768x128xf32> to vector<768x64xf32>
    %dot_general3A_39 = arith.constant dense<0.000000e+00> : vector<64x768xf32>
    %dot_general3A_40 = tpu.matmul %get3A_1, %slice3A_38, %dot_general3A_39 {dimension_numbers = #tpu.dot_dimension_numbers<[1], [1], [0], [0], [0, 0, 1, 0], [], []>, transpose_lhs_hint = false} : vector<64x64xf32>, vector<768x64xf32>, vector<64x768xf32> -> vector<64x768xf32>
    %swap3A_41 = arith.constant 0 : index
    %swap3A_42 = arith.constant 3840 : index
    %swap3A_43 = vector.load %arg3[%swap3A_41, %swap3A_42] : memref<64x24576xf32, #tpu.memory_space<vmem>>, vector<64x768xf32>
    tpu.vector_store %arg3[%swap3A_41, %swap3A_42], %dot_general3A_40 {strides = array<i32>} : memref<64x24576xf32, #tpu.memory_space<vmem>>, vector<64x768xf32>,
    %get3A_44 = arith.constant 2304 : index
    %get3A_45 = arith.constant 0 : index
    %get3A_46 = vector.load %arg1[%get3A_44, %get3A_45] : memref<12288x128xf32, #tpu.memory_space<vmem>>, vector<768x128xf32>
    %slice3A_47 = vector.extract_strided_slice %get3A_46 {offsets = [0, 0], sizes = [768, 64], strides = [1, 1]} : vector<768x128xf32> to vector<768x64xf32>
    %dot_general3A_48 = arith.constant dense<0.000000e+00> : vector<64x768xf32>
    %dot_general3A_49 = tpu.matmul %get3A_1, %slice3A_47, %dot_general3A_48 {dimension_numbers = #tpu.dot_dimension_numbers<[1], [1], [0], [0], [0, 0, 1, 0], [], []>, transpose_lhs_hint = false} : vector<64x64xf32>, vector<768x64xf32>, vector<64x768xf32> -> vector<64x768xf32>
    %swap3A_50 = arith.constant 0 : index
    %swap3A_51 = arith.constant 4608 : index
    %swap3A_52 = vector.load %arg3[%swap3A_50, %swap3A_51] : memref<64x24576xf32, #tpu.memory_space<vmem>>, vector<64x768xf32>
    tpu.vector_store %arg3[%swap3A_50, %swap3A_51], %dot_general3A_49 {strides = array<i32>} : memref<64x24576xf32, #tpu.memory_space<vmem>>, vector<64x768xf32>,
    %slice3A_53 = vector.extract_strided_slice %get3A_46 {offsets = [0, 64], sizes = [768, 64], strides = [1, 1]} : vector<768x128xf32> to vector<768x64xf32>
    %dot_general3A_54 = arith.constant dense<0.000000e+00> : vector<64x768xf32>
    %dot_general3A_55 = tpu.matmul %get3A_1, %slice3A_53, %dot_general3A_54 {dimension_numbers = #tpu.dot_dimension_numbers<[1], [1], [0], [0], [0, 0, 1, 0], [], []>, transpose_lhs_hint = false} : vector<64x64xf32>, vector<768x64xf32>, vector<64x768xf32> -> vector<64x768xf32>
    %swap3A_56 = arith.constant 0 : index
    %swap3A_57 = arith.constant 5376 : index
    %swap3A_58 = vector.load %arg3[%swap3A_56, %swap3A_57] : memref<64x24576xf32, #tpu.memory_space<vmem>>, vector<64x768xf32>
    tpu.vector_store %arg3[%swap3A_56, %swap3A_57], %dot_general3A_55 {strides = array<i32>} : memref<64x24576xf32, #tpu.memory_space<vmem>>, vector<64x768xf32>,
    %get3A_59 = arith.constant 3072 : index
    %get3A_60 = arith.constant 0 : index
    %get3A_61 = vector.load %arg1[%get3A_59, %get3A_60] : memref<12288x128xf32, #tpu.memory_space<vmem>>, vector<768x128xf32>
    %slice3A_62 = vector.extract_strided_slice %get3A_61 {offsets = [0, 0], sizes = [768, 64], strides = [1, 1]} : vector<768x128xf32> to vector<768x64xf32>
    %dot_general3A_63 = arith.constant dense<0.000000e+00> : vector<64x768xf32>
    %dot_general3A_64 = tpu.matmul %get3A_1, %slice3A_62, %dot_general3A_63 {dimension_numbers = #tpu.dot_dimension_numbers<[1], [1], [0], [0], [0, 0, 1, 0], [], []>, transpose_lhs_hint = false} : vector<64x64xf32>, vector<768x64xf32>, vector<64x768xf32> -> vector<64x768xf32>
    %swap3A_65 = arith.constant 0 : index
    %swap3A_66 = arith.constant 6144 : index
    %swap3A_67 = vector.load %arg3[%swap3A_65, %swap3A_66] : memref<64x24576xf32, #tpu.memory_space<vmem>>, vector<64x768xf32>
    tpu.vector_store %arg3[%swap3A_65, %swap3A_66], %dot_general3A_64 {strides = array<i32>} : memref<64x24576xf32, #tpu.memory_space<vmem>>, vector<64x768xf32>,
    %slice3A_68 = vector.extract_strided_slice %get3A_61 {offsets = [0, 64], sizes = [768, 64], strides = [1, 1]} : vector<768x128xf32> to vector<768x64xf32>
    %dot_general3A_69 = arith.constant dense<0.000000e+00> : vector<64x768xf32>
    %dot_general3A_70 = tpu.matmul %get3A_1, %slice3A_68, %dot_general3A_69 {dimension_numbers = #tpu.dot_dimension_numbers<[1], [1], [0], [0], [0, 0, 1, 0], [], []>, transpose_lhs_hint = false} : vector<64x64xf32>, vector<768x64xf32>, vector<64x768xf32> -> vector<64x768xf32>
    %swap3A_71 = arith.constant 0 : index
    %swap3A_72 = arith.constant 6912 : index
    %swap3A_73 = vector.load %arg3[%swap3A_71, %swap3A_72] : memref<64x24576xf32, #tpu.memory_space<vmem>>, vector<64x768xf32>
    tpu.vector_store %arg3[%swap3A_71, %swap3A_72], %dot_general3A_70 {strides = array<i32>} : memref<64x24576xf32, #tpu.memory_space<vmem>>, vector<64x768xf32>,
    %get3A_74 = arith.constant 3840 : index
    %get3A_75 = arith.constant 0 : index
    %get3A_76 = vector.load %arg1[%get3A_74, %get3A_75] : memref<12288x128xf32, #tpu.memory_space<vmem>>, vector<768x128xf32>
    %slice3A_77 = vector.extract_strided_slice %get3A_76 {offsets = [0, 0], sizes = [768, 64], strides = [1, 1]} : vector<768x128xf32> to vector<768x64xf32>
    %dot_general3A_78 = arith.constant dense<0.000000e+00> : vector<64x768xf32>
    %dot_general3A_79 = tpu.matmul %get3A_1, %slice3A_77, %dot_general3A_78 {dimension_numbers = #tpu.dot_dimension_numbers<[1], [1], [0], [0], [0, 0, 1, 0], [], []>, transpose_lhs_hint = false} : vector<64x64xf32>, vector<768x64xf32>, vector<64x768xf32> -> vector<64x768xf32>
    %swap3A_80 = arith.constant 0 : index
    %swap3A_81 = arith.constant 7680 : index
    %swap3A_82 = vector.load %arg3[%swap3A_80, %swap3A_81] : memref<64x24576xf32, #tpu.memory_space<vmem>>, vector<64x768xf32>
    tpu.vector_store %arg3[%swap3A_80, %swap3A_81], %dot_general3A_79 {strides = array<i32>} : memref<64x24576xf32, #tpu.memory_space<vmem>>, vector<64x768xf32>,
    %slice3A_83 = vector.extract_strided_slice %get3A_76 {offsets = [0, 64], sizes = [768, 64], strides = [1, 1]} : vector<768x128xf32> to vector<768x64xf32>
    %dot_general3A_84 = arith.constant dense<0.000000e+00> : vector<64x768xf32>
    %dot_general3A_85 = tpu.matmul %get3A_1, %slice3A_83, %dot_general3A_84 {dimension_numbers = #tpu.dot_dimension_numbers<[1], [1], [0], [0], [0, 0, 1, 0], [], []>, transpose_lhs_hint = false} : vector<64x64xf32>, vector<768x64xf32>, vector<64x768xf32> -> vector<64x768xf32>
    %swap3A_86 = arith.constant 0 : index
    %swap3A_87 = arith.constant 8448 : index
    %swap3A_88 = vector.load %arg3[%swap3A_86, %swap3A_87] : memref<64x24576xf32, #tpu.memory_space<vmem>>, vector<64x768xf32>
    tpu.vector_store %arg3[%swap3A_86, %swap3A_87], %dot_general3A_85 {strides = array<i32>} : memref<64x24576xf32, #tpu.memory_space<vmem>>, vector<64x768xf32>,
    %get3A_89 = arith.constant 4608 : index
    %get3A_90 = arith.constant 0 : index
    %get3A_91 = vector.load %arg1[%get3A_89, %get3A_90] : memref<12288x128xf32, #tpu.memory_space<vmem>>, vector<768x128xf32>
    %slice3A_92 = vector.extract_strided_slice %get3A_91 {offsets = [0, 0], sizes = [768, 64], strides = [1, 1]} : vector<768x128xf32> to vector<768x64xf32>
    %dot_general3A_93 = arith.constant dense<0.000000e+00> : vector<64x768xf32>
    %dot_general3A_94 = tpu.matmul %get3A_1, %slice3A_92, %dot_general3A_93 {dimension_numbers = #tpu.dot_dimension_numbers<[1], [1], [0], [0], [0, 0, 1, 0], [], []>, transpose_lhs_hint = false} : vector<64x64xf32>, vector<768x64xf32>, vector<64x768xf32> -> vector<64x768xf32>
    %swap3A_95 = arith.constant 0 : index
    %swap3A_96 = arith.constant 9216 : index
    %swap3A_97 = vector.load %arg3[%swap3A_95, %swap3A_96] : memref<64x24576xf32, #tpu.memory_space<vmem>>, vector<64x768xf32>
    tpu.vector_store %arg3[%swap3A_95, %swap3A_96], %dot_general3A_94 {strides = array<i32>} : memref<64x24576xf32, #tpu.memory_space<vmem>>, vector<64x768xf32>,
    %slice3A_98 = vector.extract_strided_slice %get3A_91 {offsets = [0, 64], sizes = [768, 64], strides = [1, 1]} : vector<768x128xf32> to vector<768x64xf32>
    %dot_general3A_99 = arith.constant dense<0.000000e+00> : vector<64x768xf32>
    %dot_general3A_100 = tpu.matmul %get3A_1, %slice3A_98, %dot_general3A_99 {dimension_numbers = #tpu.dot_dimension_numbers<[1], [1], [0], [0], [0, 0, 1, 0], [], []>, transpose_lhs_hint = false} : vector<64x64xf32>, vector<768x64xf32>, vector<64x768xf32> -> vector<64x768xf32>
    %swap3A_101 = arith.constant 0 : index
    %swap3A_102 = arith.constant 9984 : index
    %swap3A_103 = vector.load %arg3[%swap3A_101, %swap3A_102] : memref<64x24576xf32, #tpu.memory_space<vmem>>, vector<64x768xf32>
    tpu.vector_store %arg3[%swap3A_101, %swap3A_102], %dot_general3A_100 {strides = array<i32>} : memref<64x24576xf32, #tpu.memory_space<vmem>>, vector<64x768xf32>,
    %get3A_104 = arith.constant 5376 : index
    %get3A_105 = arith.constant 0 : index
    %get3A_106 = vector.load %arg1[%get3A_104, %get3A_105] : memref<12288x128xf32, #tpu.memory_space<vmem>>, vector<768x128xf32>
    %slice3A_107 = vector.extract_strided_slice %get3A_106 {offsets = [0, 0], sizes = [768, 64], strides = [1, 1]} : vector<768x128xf32> to vector<768x64xf32>
    %dot_general3A_108 = arith.constant dense<0.000000e+00> : vector<64x768xf32>
    %dot_general3A_109 = tpu.matmul %get3A_1, %slice3A_107, %dot_general3A_108 {dimension_numbers = #tpu.dot_dimension_numbers<[1], [1], [0], [0], [0, 0, 1, 0], [], []>, transpose_lhs_hint = false} : vector<64x64xf32>, vector<768x64xf32>, vector<64x768xf32> -> vector<64x768xf32>
    %swap3A_110 = arith.constant 0 : index
    %swap3A_111 = arith.constant 10752 : index
    %swap3A_112 = vector.load %arg3[%swap3A_110, %swap3A_111] : memref<64x24576xf32, #tpu.memory_space<vmem>>, vector<64x768xf32>
    tpu.vector_store %arg3[%swap3A_110, %swap3A_111], %dot_general3A_109 {strides = array<i32>} : memref<64x24576xf32, #tpu.memory_space<vmem>>, vector<64x768xf32>,
    %slice3A_113 = vector.extract_strided_slice %get3A_106 {offsets = [0, 64], sizes = [768, 64], strides = [1, 1]} : vector<768x128xf32> to vector<768x64xf32>
    %dot_general3A_114 = arith.constant dense<0.000000e+00> : vector<64x768xf32>
    %dot_general3A_115 = tpu.matmul %get3A_1, %slice3A_113, %dot_general3A_114 {dimension_numbers = #tpu.dot_dimension_numbers<[1], [1], [0], [0], [0, 0, 1, 0], [], []>, transpose_lhs_hint = false} : vector<64x64xf32>, vector<768x64xf32>, vector<64x768xf32> -> vector<64x768xf32>
    %swap3A_116 = arith.constant 0 : index
    %swap3A_117 = arith.constant 11520 : index
    %swap3A_118 = vector.load %arg3[%swap3A_116, %swap3A_117] : memref<64x24576xf32, #tpu.memory_space<vmem>>, vector<64x768xf32>
    tpu.vector_store %arg3[%swap3A_116, %swap3A_117], %dot_general3A_115 {strides = array<i32>} : memref<64x24576xf32, #tpu.memory_space<vmem>>, vector<64x768xf32>,
    %get3A_119 = arith.constant 6144 : index
    %get3A_120 = arith.constant 0 : index
    %get3A_121 = vector.load %arg1[%get3A_119, %get3A_120] : memref<12288x128xf32, #tpu.memory_space<vmem>>, vector<768x128xf32>
    %slice3A_122 = vector.extract_strided_slice %get3A_121 {offsets = [0, 0], sizes = [768, 64], strides = [1, 1]} : vector<768x128xf32> to vector<768x64xf32>
    %dot_general3A_123 = arith.constant dense<0.000000e+00> : vector<64x768xf32>
    %dot_general3A_124 = tpu.matmul %get3A_1, %slice3A_122, %dot_general3A_123 {dimension_numbers = #tpu.dot_dimension_numbers<[1], [1], [0], [0], [0, 0, 1, 0], [], []>, transpose_lhs_hint = false} : vector<64x64xf32>, vector<768x64xf32>, vector<64x768xf32> -> vector<64x768xf32>
    %swap3A_125 = arith.constant 0 : index
    %swap3A_126 = arith.constant 12288 : index
    %swap3A_127 = vector.load %arg3[%swap3A_125, %swap3A_126] : memref<64x24576xf32, #tpu.memory_space<vmem>>, vector<64x768xf32>
    tpu.vector_store %arg3[%swap3A_125, %swap3A_126], %dot_general3A_124 {strides = array<i32>} : memref<64x24576xf32, #tpu.memory_space<vmem>>, vector<64x768xf32>,
    %slice3A_128 = vector.extract_strided_slice %get3A_121 {offsets = [0, 64], sizes = [768, 64], strides = [1, 1]} : vector<768x128xf32> to vector<768x64xf32>
    %dot_general3A_129 = arith.constant dense<0.000000e+00> : vector<64x768xf32>
    %dot_general3A_130 = tpu.matmul %get3A_1, %slice3A_128, %dot_general3A_129 {dimension_numbers = #tpu.dot_dimension_numbers<[1], [1], [0], [0], [0, 0, 1, 0], [], []>, transpose_lhs_hint = false} : vector<64x64xf32>, vector<768x64xf32>, vector<64x768xf32> -> vector<64x768xf32>
    %swap3A_131 = arith.constant 0 : index
    %swap3A_132 = arith.constant 13056 : index
    %swap3A_133 = vector.load %arg3[%swap3A_131, %swap3A_132] : memref<64x24576xf32, #tpu.memory_space<vmem>>, vector<64x768xf32>
    tpu.vector_store %arg3[%swap3A_131, %swap3A_132], %dot_general3A_130 {strides = array<i32>} : memref<64x24576xf32, #tpu.memory_space<vmem>>, vector<64x768xf32>,
    %get3A_134 = arith.constant 6912 : index
    %get3A_135 = arith.constant 0 : index
    %get3A_136 = vector.load %arg1[%get3A_134, %get3A_135] : memref<12288x128xf32, #tpu.memory_space<vmem>>, vector<768x128xf32>
    %slice3A_137 = vector.extract_strided_slice %get3A_136 {offsets = [0, 0], sizes = [768, 64], strides = [1, 1]} : vector<768x128xf32> to vector<768x64xf32>
    %dot_general3A_138 = arith.constant dense<0.000000e+00> : vector<64x768xf32>
    %dot_general3A_139 = tpu.matmul %get3A_1, %slice3A_137, %dot_general3A_138 {dimension_numbers = #tpu.dot_dimension_numbers<[1], [1], [0], [0], [0, 0, 1, 0], [], []>, transpose_lhs_hint = false} : vector<64x64xf32>, vector<768x64xf32>, vector<64x768xf32> -> vector<64x768xf32>
    %swap3A_140 = arith.constant 0 : index
    %swap3A_141 = arith.constant 13824 : index
    %swap3A_142 = vector.load %arg3[%swap3A_140, %swap3A_141] : memref<64x24576xf32, #tpu.memory_space<vmem>>, vector<64x768xf32>
    tpu.vector_store %arg3[%swap3A_140, %swap3A_141], %dot_general3A_139 {strides = array<i32>} : memref<64x24576xf32, #tpu.memory_space<vmem>>, vector<64x768xf32>,
    %slice3A_143 = vector.extract_strided_slice %get3A_136 {offsets = [0, 64], sizes = [768, 64], strides = [1, 1]} : vector<768x128xf32> to vector<768x64xf32>
    %dot_general3A_144 = arith.constant dense<0.000000e+00> : vector<64x768xf32>
    %dot_general3A_145 = tpu.matmul %get3A_1, %slice3A_143, %dot_general3A_144 {dimension_numbers = #tpu.dot_dimension_numbers<[1], [1], [0], [0], [0, 0, 1, 0], [], []>, transpose_lhs_hint = false} : vector<64x64xf32>, vector<768x64xf32>, vector<64x768xf32> -> vector<64x768xf32>
    %swap3A_146 = arith.constant 0 : index
    %swap3A_147 = arith.constant 14592 : index
    %swap3A_148 = vector.load %arg3[%swap3A_146, %swap3A_147] : memref<64x24576xf32, #tpu.memory_space<vmem>>, vector<64x768xf32>
    tpu.vector_store %arg3[%swap3A_146, %swap3A_147], %dot_general3A_145 {strides = array<i32>} : memref<64x24576xf32, #tpu.memory_space<vmem>>, vector<64x768xf32>,
    %get3A_149 = arith.constant 7680 : index
    %get3A_150 = arith.constant 0 : index
    %get3A_151 = vector.load %arg1[%get3A_149, %get3A_150] : memref<12288x128xf32, #tpu.memory_space<vmem>>, vector<768x128xf32>
    %slice3A_152 = vector.extract_strided_slice %get3A_151 {offsets = [0, 0], sizes = [768, 64], strides = [1, 1]} : vector<768x128xf32> to vector<768x64xf32>
    %dot_general3A_153 = arith.constant dense<0.000000e+00> : vector<64x768xf32>
    %dot_general3A_154 = tpu.matmul %get3A_1, %slice3A_152, %dot_general3A_153 {dimension_numbers = #tpu.dot_dimension_numbers<[1], [1], [0], [0], [0, 0, 1, 0], [], []>, transpose_lhs_hint = false} : vector<64x64xf32>, vector<768x64xf32>, vector<64x768xf32> -> vector<64x768xf32>
    %swap3A_155 = arith.constant 0 : index
    %swap3A_156 = arith.constant 15360 : index
    %swap3A_157 = vector.load %arg3[%swap3A_155, %swap3A_156] : memref<64x24576xf32, #tpu.memory_space<vmem>>, vector<64x768xf32>
    tpu.vector_store %arg3[%swap3A_155, %swap3A_156], %dot_general3A_154 {strides = array<i32>} : memref<64x24576xf32, #tpu.memory_space<vmem>>, vector<64x768xf32>,
    %slice3A_158 = vector.extract_strided_slice %get3A_151 {offsets = [0, 64], sizes = [768, 64], strides = [1, 1]} : vector<768x128xf32> to vector<768x64xf32>
    %dot_general3A_159 = arith.constant dense<0.000000e+00> : vector<64x768xf32>
    %dot_general3A_160 = tpu.matmul %get3A_1, %slice3A_158, %dot_general3A_159 {dimension_numbers = #tpu.dot_dimension_numbers<[1], [1], [0], [0], [0, 0, 1, 0], [], []>, transpose_lhs_hint = false} : vector<64x64xf32>, vector<768x64xf32>, vector<64x768xf32> -> vector<64x768xf32>
    %swap3A_161 = arith.constant 0 : index
    %swap3A_162 = arith.constant 16128 : index
    %swap3A_163 = vector.load %arg3[%swap3A_161, %swap3A_162] : memref<64x24576xf32, #tpu.memory_space<vmem>>, vector<64x768xf32>
    tpu.vector_store %arg3[%swap3A_161, %swap3A_162], %dot_general3A_160 {strides = array<i32>} : memref<64x24576xf32, #tpu.memory_space<vmem>>, vector<64x768xf32>,
    %get3A_164 = arith.constant 8448 : index
    %get3A_165 = arith.constant 0 : index
    %get3A_166 = vector.load %arg1[%get3A_164, %get3A_165] : memref<12288x128xf32, #tpu.memory_space<vmem>>, vector<768x128xf32>
    %slice3A_167 = vector.extract_strided_slice %get3A_166 {offsets = [0, 0], sizes = [768, 64], strides = [1, 1]} : vector<768x128xf32> to vector<768x64xf32>
    %dot_general3A_168 = arith.constant dense<0.000000e+00> : vector<64x768xf32>
    %dot_general3A_169 = tpu.matmul %get3A_1, %slice3A_167, %dot_general3A_168 {dimension_numbers = #tpu.dot_dimension_numbers<[1], [1], [0], [0], [0, 0, 1, 0], [], []>, transpose_lhs_hint = false} : vector<64x64xf32>, vector<768x64xf32>, vector<64x768xf32> -> vector<64x768xf32>
    %swap3A_170 = arith.constant 0 : index
    %swap3A_171 = arith.constant 16896 : index
    %swap3A_172 = vector.load %arg3[%swap3A_170, %swap3A_171] : memref<64x24576xf32, #tpu.memory_space<vmem>>, vector<64x768xf32>
    tpu.vector_store %arg3[%swap3A_170, %swap3A_171], %dot_general3A_169 {strides = array<i32>} : memref<64x24576xf32, #tpu.memory_space<vmem>>, vector<64x768xf32>,
    %slice3A_173 = vector.extract_strided_slice %get3A_166 {offsets = [0, 64], sizes = [768, 64], strides = [1, 1]} : vector<768x128xf32> to vector<768x64xf32>
    %dot_general3A_174 = arith.constant dense<0.000000e+00> : vector<64x768xf32>
    %dot_general3A_175 = tpu.matmul %get3A_1, %slice3A_173, %dot_general3A_174 {dimension_numbers = #tpu.dot_dimension_numbers<[1], [1], [0], [0], [0, 0, 1, 0], [], []>, transpose_lhs_hint = false} : vector<64x64xf32>, vector<768x64xf32>, vector<64x768xf32> -> vector<64x768xf32>
    %swap3A_176 = arith.constant 0 : index
    %swap3A_177 = arith.constant 17664 : index
    %swap3A_178 = vector.load %arg3[%swap3A_176, %swap3A_177] : memref<64x24576xf32, #tpu.memory_space<vmem>>, vector<64x768xf32>
    tpu.vector_store %arg3[%swap3A_176, %swap3A_177], %dot_general3A_175 {strides = array<i32>} : memref<64x24576xf32, #tpu.memory_space<vmem>>, vector<64x768xf32>,
    %get3A_179 = arith.constant 9216 : index
    %get3A_180 = arith.constant 0 : index
    %get3A_181 = vector.load %arg1[%get3A_179, %get3A_180] : memref<12288x128xf32, #tpu.memory_space<vmem>>, vector<768x128xf32>
    %slice3A_182 = vector.extract_strided_slice %get3A_181 {offsets = [0, 0], sizes = [768, 64], strides = [1, 1]} : vector<768x128xf32> to vector<768x64xf32>
    %dot_general3A_183 = arith.constant dense<0.000000e+00> : vector<64x768xf32>
    %dot_general3A_184 = tpu.matmul %get3A_1, %slice3A_182, %dot_general3A_183 {dimension_numbers = #tpu.dot_dimension_numbers<[1], [1], [0], [0], [0, 0, 1, 0], [], []>, transpose_lhs_hint = false} : vector<64x64xf32>, vector<768x64xf32>, vector<64x768xf32> -> vector<64x768xf32>
    %swap3A_185 = arith.constant 0 : index
    %swap3A_186 = arith.constant 18432 : index
    %swap3A_187 = vector.load %arg3[%swap3A_185, %swap3A_186] : memref<64x24576xf32, #tpu.memory_space<vmem>>, vector<64x768xf32>
    tpu.vector_store %arg3[%swap3A_185, %swap3A_186], %dot_general3A_184 {strides = array<i32>} : memref<64x24576xf32, #tpu.memory_space<vmem>>, vector<64x768xf32>,
    %slice3A_188 = vector.extract_strided_slice %get3A_181 {offsets = [0, 64], sizes = [768, 64], strides = [1, 1]} : vector<768x128xf32> to vector<768x64xf32>
    %dot_general3A_189 = arith.constant dense<0.000000e+00> : vector<64x768xf32>
    %dot_general3A_190 = tpu.matmul %get3A_1, %slice3A_188, %dot_general3A_189 {dimension_numbers = #tpu.dot_dimension_numbers<[1], [1], [0], [0], [0, 0, 1, 0], [], []>, transpose_lhs_hint = false} : vector<64x64xf32>, vector<768x64xf32>, vector<64x768xf32> -> vector<64x768xf32>
    %swap3A_191 = arith.constant 0 : index
    %swap3A_192 = arith.constant 19200 : index
    %swap3A_193 = vector.load %arg3[%swap3A_191, %swap3A_192] : memref<64x24576xf32, #tpu.memory_space<vmem>>, vector<64x768xf32>
    tpu.vector_store %arg3[%swap3A_191, %swap3A_192], %dot_general3A_190 {strides = array<i32>} : memref<64x24576xf32, #tpu.memory_space<vmem>>, vector<64x768xf32>,
    %get3A_194 = arith.constant 9984 : index
    %get3A_195 = arith.constant 0 : index
    %get3A_196 = vector.load %arg1[%get3A_194, %get3A_195] : memref<12288x128xf32, #tpu.memory_space<vmem>>, vector<768x128xf32>
    %slice3A_197 = vector.extract_strided_slice %get3A_196 {offsets = [0, 0], sizes = [768, 64], strides = [1, 1]} : vector<768x128xf32> to vector<768x64xf32>
    %dot_general3A_198 = arith.constant dense<0.000000e+00> : vector<64x768xf32>
    %dot_general3A_199 = tpu.matmul %get3A_1, %slice3A_197, %dot_general3A_198 {dimension_numbers = #tpu.dot_dimension_numbers<[1], [1], [0], [0], [0, 0, 1, 0], [], []>, transpose_lhs_hint = false} : vector<64x64xf32>, vector<768x64xf32>, vector<64x768xf32> -> vector<64x768xf32>
    %swap3A_200 = arith.constant 0 : index
    %swap3A_201 = arith.constant 19968 : index
    %swap3A_202 = vector.load %arg3[%swap3A_200, %swap3A_201] : memref<64x24576xf32, #tpu.memory_space<vmem>>, vector<64x768xf32>
    tpu.vector_store %arg3[%swap3A_200, %swap3A_201], %dot_general3A_199 {strides = array<i32>} : memref<64x24576xf32, #tpu.memory_space<vmem>>, vector<64x768xf32>,
    %slice3A_203 = vector.extract_strided_slice %get3A_196 {offsets = [0, 64], sizes = [768, 64], strides = [1, 1]} : vector<768x128xf32> to vector<768x64xf32>
    %dot_general3A_204 = arith.constant dense<0.000000e+00> : vector<64x768xf32>
    %dot_general3A_205 = tpu.matmul %get3A_1, %slice3A_203, %dot_general3A_204 {dimension_numbers = #tpu.dot_dimension_numbers<[1], [1], [0], [0], [0, 0, 1, 0], [], []>, transpose_lhs_hint = false} : vector<64x64xf32>, vector<768x64xf32>, vector<64x768xf32> -> vector<64x768xf32>
    %swap3A_206 = arith.constant 0 : index
    %swap3A_207 = arith.constant 20736 : index
    %swap3A_208 = vector.load %arg3[%swap3A_206, %swap3A_207] : memref<64x24576xf32, #tpu.memory_space<vmem>>, vector<64x768xf32>
    tpu.vector_store %arg3[%swap3A_206, %swap3A_207], %dot_general3A_205 {strides = array<i32>} : memref<64x24576xf32, #tpu.memory_space<vmem>>, vector<64x768xf32>,
    %get3A_209 = arith.constant 10752 : index
    %get3A_210 = arith.constant 0 : index
    %get3A_211 = vector.load %arg1[%get3A_209, %get3A_210] : memref<12288x128xf32, #tpu.memory_space<vmem>>, vector<768x128xf32>
    %slice3A_212 = vector.extract_strided_slice %get3A_211 {offsets = [0, 0], sizes = [768, 64], strides = [1, 1]} : vector<768x128xf32> to vector<768x64xf32>
    %dot_general3A_213 = arith.constant dense<0.000000e+00> : vector<64x768xf32>
    %dot_general3A_214 = tpu.matmul %get3A_1, %slice3A_212, %dot_general3A_213 {dimension_numbers = #tpu.dot_dimension_numbers<[1], [1], [0], [0], [0, 0, 1, 0], [], []>, transpose_lhs_hint = false} : vector<64x64xf32>, vector<768x64xf32>, vector<64x768xf32> -> vector<64x768xf32>
    %swap3A_215 = arith.constant 0 : index
    %swap3A_216 = arith.constant 21504 : index
    %swap3A_217 = vector.load %arg3[%swap3A_215, %swap3A_216] : memref<64x24576xf32, #tpu.memory_space<vmem>>, vector<64x768xf32>
    tpu.vector_store %arg3[%swap3A_215, %swap3A_216], %dot_general3A_214 {strides = array<i32>} : memref<64x24576xf32, #tpu.memory_space<vmem>>, vector<64x768xf32>,
    %slice3A_218 = vector.extract_strided_slice %get3A_211 {offsets = [0, 64], sizes = [768, 64], strides = [1, 1]} : vector<768x128xf32> to vector<768x64xf32>
    %dot_general3A_219 = arith.constant dense<0.000000e+00> : vector<64x768xf32>
    %dot_general3A_220 = tpu.matmul %get3A_1, %slice3A_218, %dot_general3A_219 {dimension_numbers = #tpu.dot_dimension_numbers<[1], [1], [0], [0], [0, 0, 1, 0], [], []>, transpose_lhs_hint = false} : vector<64x64xf32>, vector<768x64xf32>, vector<64x768xf32> -> vector<64x768xf32>
    %swap3A_221 = arith.constant 0 : index
    %swap3A_222 = arith.constant 22272 : index
    %swap3A_223 = vector.load %arg3[%swap3A_221, %swap3A_222] : memref<64x24576xf32, #tpu.memory_space<vmem>>, vector<64x768xf32>
    tpu.vector_store %arg3[%swap3A_221, %swap3A_222], %dot_general3A_220 {strides = array<i32>} : memref<64x24576xf32, #tpu.memory_space<vmem>>, vector<64x768xf32>,
    %get3A_224 = arith.constant 11520 : index
    %get3A_225 = arith.constant 0 : index
    %get3A_226 = vector.load %arg1[%get3A_224, %get3A_225] : memref<12288x128xf32, #tpu.memory_space<vmem>>, vector<768x128xf32>
    %slice3A_227 = vector.extract_strided_slice %get3A_226 {offsets = [0, 0], sizes = [768, 64], strides = [1, 1]} : vector<768x128xf32> to vector<768x64xf32>
    %dot_general3A_228 = arith.constant dense<0.000000e+00> : vector<64x768xf32>
    %dot_general3A_229 = tpu.matmul %get3A_1, %slice3A_227, %dot_general3A_228 {dimension_numbers = #tpu.dot_dimension_numbers<[1], [1], [0], [0], [0, 0, 1, 0], [], []>, transpose_lhs_hint = false} : vector<64x64xf32>, vector<768x64xf32>, vector<64x768xf32> -> vector<64x768xf32>
    %swap3A_230 = arith.constant 0 : index
    %swap3A_231 = arith.constant 23040 : index
    %swap3A_232 = vector.load %arg3[%swap3A_230, %swap3A_231] : memref<64x24576xf32, #tpu.memory_space<vmem>>, vector<64x768xf32>
    tpu.vector_store %arg3[%swap3A_230, %swap3A_231], %dot_general3A_229 {strides = array<i32>} : memref<64x24576xf32, #tpu.memory_space<vmem>>, vector<64x768xf32>,
    %slice3A_233 = vector.extract_strided_slice %get3A_226 {offsets = [0, 64], sizes = [768, 64], strides = [1, 1]} : vector<768x128xf32> to vector<768x64xf32>
    %dot_general3A_234 = arith.constant dense<0.000000e+00> : vector<64x768xf32>
    %dot_general3A_235 = tpu.matmul %get3A_1, %slice3A_233, %dot_general3A_234 {dimension_numbers = #tpu.dot_dimension_numbers<[1], [1], [0], [0], [0, 0, 1, 0], [], []>, transpose_lhs_hint = false} : vector<64x64xf32>, vector<768x64xf32>, vector<64x768xf32> -> vector<64x768xf32>
    %swap3A_236 = arith.constant 0 : index
    %swap3A_237 = arith.constant 23808 : index
    %swap3A_238 = vector.load %arg3[%swap3A_236, %swap3A_237] : memref<64x24576xf32, #tpu.memory_space<vmem>>, vector<64x768xf32>
    tpu.vector_store %arg3[%swap3A_236, %swap3A_237], %dot_general3A_235 {strides = array<i32>} : memref<64x24576xf32, #tpu.memory_space<vmem>>, vector<64x768xf32>,
    return
  }
  func.func @transform_0(%arg0: i32) -> (i32, i32) {
    %c0_i32 = arith.constant 0 : i32
    %c0_i32_0 = arith.constant 0 : i32
    return %arg0, %c0_i32 : i32, i32
  }
  func.func @transform_1(%arg0: i32) -> (i32, i32) {
    %c0_i32 = arith.constant 0 : i32
    %c0_i32_0 = arith.constant 0 : i32
    %c0_i32_1 = arith.constant 0 : i32
    return %c0_i32, %c0_i32_0 : i32, i32
  }
  func.func @transform_2(%arg0: i32) -> (i32, i32) {
    %c0_i32 = arith.constant 0 : i32
    %c0_i32_0 = arith.constant 0 : i32
    return %c0_i32, %arg0 : i32, i32
  }
}

</mosaic_0001>

<sc_bundles>
// kernel: kernel.6.cloned.1.call-start
scs
__scs_entry_jumppad:
0x0: {  	(pc) =	sbr.rel $0x88, $3  }
0x1: {  	(tag) =	ssettag $0x0;
	lr =	simm.s32 $0x1  }
0x2: {  	[smem:$0x3F9B] =	sst lr;
	_ =	strace $0xD0000000  }
0x3: {  	_ = 	snop  }
0x4: {  	_ = 	snop  }
0x5: {  	_ = 	snop  }
0x6: {  	_ = 	snop  }
0x7: {  	_ = 	snop  }
__scs_overlays_trampoline_lowered:
0x8: {  	[smem:$0x3FAA] =	sst s0  }
0x9: {  	[smem:$0x3FAB] =	sst s1  }
0xa: {  	[smem:$0x3FAC] =	sst s2  }
0xb: {  	[smem:$0x3FAD] =	sst s3  }
0xc: {  	[smem:$0x3FAE] =	sst s4  }
0xd: {  	[smem:$0x3FAF] =	sst s5  }
0xe: {  	[smem:$0x3FB0] =	sst s6  }
0xf: {  	[smem:$0x3FB1] =	sst s7  }
0x10: {  	[smem:$0x3FB2] =	sst s8  }
0x11: {  	[smem:$0x3FB3] =	sst s9;
	s0 =	simm.s32 @!p0 $0x0  }
0x12: {  	s1 =	sld [smem:$0x3F99];
	s0 =	simm.s32 @p0 $0x1  }
0x13: {  	[smem:$0x3FB4] =	sst s0;
	s0 =	simm.s32 @!p1 $0x0  }
0x14: {  	s2 =	sld [smem:$0x3F98];
	s0 =	simm.s32 @p1 $0x1  }
0x15: {  	[smem:$0x3FB5] =	sst s0;
	s0 =	simm.s32 @!p2 $0x0  }
0x16: {  	s3 =	sld [smem:$0x3FDB];
	s0 =	simm.s32 @p2 $0x1  }
0x17: {  	s4 =	simm.s32 $0x1BF5;
	[smem:$0x3FB7] =	sst s0  }
0x18: {  	s0 =	sld [smem:$0x3F9A];
	_ =	swait.ge [sflag:s4], $0x0  }
0x19: {  	s7 =	sld [smem:$0x3F9B]  }
0x1a: {  	s8 =	sadd.s32 $0xFFFFE003, lr  }
0x1b: {  	s9 =	sadd.s32 $0xFFFFFEF7, lr;
	s5 =	simm.s32 $0xFFFFFFFF;
	p2 =	slt.u32 s8, $0xFFFFF086  }
0x1c: {  	p1 =	slt.u32 s9, $0xF7A;
	s5 =	simm.s32 @!p2 $0x0  }
0x1d: {  	s5 =	simm.s32 @p1 $0x1;
	p0 =	seq.s32 s7, s2  }
0x1e: {  	s7 =	smul.u32 @!p0 $0xF7A, s2;
	p2 =	seq.s32 @!p0 s5, $0x0  }
0x1f: {  	s9 =	smul.u32 $0xF7A, s1;
	s8 =	simm.s32 @!p0 $0x1BF5;
	p2 =	por !p2, p0  }
0x20: {  	[sflag:s8] =	ssyncset.s32 @!p0 $0xFFFFF086;
	s6 =	sadd.s32 @!p0 s3, s7;
	s7 =	simm.s32 @!p0 $0x108  }
0x21: {  	s3 =	sadd.s32 s3, s9;
	s6 =	sadd.s32 @!p0 $0x88, s6;
	s7 =	simm.s32 @p2 $0x1082  }
0x22: {  	[simem:s7], [sflag:s8] =	dma.local @!p0 [hbm:s6], $0xF7A  }
0x23: {  	s9 =	sor.u32 $0xD0000000, s2;
	s6 =	simm.s32 $0x108;
	_ =	swait.ge @!p0 [sflag:s8], $0x0  }
0x24: {  	s3 =	sadd.s32 $0x88, s3;
	s6 =	simm.s32 @!p1 $0x1082;
	[sflag:s4] =	ssyncset.s32 $0xFFFFF086  }
0x25: {  	[simem:s6], [sflag:s4] =	dma.local [hbm:s3], $0xF7A  }
0x26: {  	[smem:$0x3F9B] =	sst s1;
	(tag) =	ssettag s2;
	_ =	strace s9  }
0x27: {  	s1 =	sld [smem:$0x3FAB]  }
0x28: {  	s2 =	sld [smem:$0x3FAC]  }
0x29: {  	s4 =	sld [smem:$0x3FAE]  }
0x2a: {  	p0 =	seq.s32 s5, $0x0;
	s5 =	sld [smem:$0x3FAF]  }
0x2b: {  	s6 =	sld [smem:$0x3FB0]  }
0x2c: {  	s7 =	sld [smem:$0x3FB1]  }
0x2d: {  	s3 =	simm.s32 $0x108;
	s8 =	sld [smem:$0x3FB2]  }
0x2e: {  	s3 =	simm.s32 @!p0 $0x1082;
	s9 =	sld [smem:$0x3FB3]  }
0x2f: {  	lr =	sadd.s32 s0, s3;
	s0 =	sld [smem:$0x3FAA]  }
0x30: {  	s3 =	sld [smem:$0x3FAD]  }
0x31: {  	[smem:$0x3FB6] =	sst s10  }
0x32: {  	s10 =	sld [smem:$0x3FB4];
	_ =	sdelay $0x3  }
0x33: {  	p0 =	seq.s32 s10, $0x1;
	s10 =	sld [smem:$0x3FB6];
	_ =	sdelay $0x3  }
0x34: {  	[smem:$0x3FB6] =	sst s10  }
0x35: {  	s10 =	sld [smem:$0x3FB5];
	_ =	sdelay $0x3  }
0x36: {  	p1 =	seq.s32 s10, $0x1;
	s10 =	sld [smem:$0x3FB6];
	_ =	sdelay $0x3  }
0x37: {  	[smem:$0x3FB6] =	sst s10  }
0x38: {  	s10 =	sld [smem:$0x3FB7]  }
0x39: {  	_ = 	snop;
	(pc) =	sbr.ind lr, $3  }
0x3a: {  	_ = 	snop  }
0x3b: {  	_ = 	snop  }
0x3c: {  	p2 =	seq.s32 s10, $0x1;
	s10 =	sld [smem:$0x3FB6]  }
0x3d: {  	_ =	shalt  }
0x3e: {  	_ =	shalt  }
0x3f: {  	_ =	shalt  }
0x40: {  	_ =	shalt  }
0x41: {  	_ =	shalt  }
0x42: {  	_ =	shalt  }
0x43: {  	_ =	shalt  }
0x44: {  	_ =	shalt  }
0x45: {  	_ =	shalt  }
0x46: {  	_ =	shalt  }
0x47: {  	_ =	shalt  }
0x48: {  	_ =	shalt  }
0x49: {  	_ =	shalt  }
0x4a: {  	_ =	shalt  }
0x4b: {  	_ =	shalt  }
0x4c: {  	_ =	shalt  }
0x4d: {  	_ =	shalt  }
0x4e: {  	_ =	shalt  }
0x4f: {  	_ =	shalt  }
0x50: {  	_ =	shalt  }
0x51: {  	_ =	shalt  }
0x52: {  	_ =	shalt  }
0x53: {  	_ =	shalt  }
0x54: {  	_ =	shalt  }
0x55: {  	_ =	shalt  }
0x56: {  	_ =	shalt  }
0x57: {  	_ =	shalt  }
0x58: {  	_ =	shalt  }
0x59: {  	_ =	shalt  }
0x5a: {  	_ =	shalt  }
0x5b: {  	_ =	shalt  }
0x5c: {  	_ =	shalt  }
0x5d: {  	_ =	shalt  }
0x5e: {  	_ =	shalt  }
0x5f: {  	_ =	shalt  }
0x60: {  	_ =	shalt  }
0x61: {  	_ =	shalt  }
0x62: {  	_ =	shalt  }
0x63: {  	_ =	shalt  }
0x64: {  	_ =	shalt  }
0x65: {  	_ =	shalt  }
0x66: {  	_ =	shalt  }
0x67: {  	_ =	shalt  }
0x68: {  	_ =	shalt  }
0x69: {  	_ =	shalt  }
0x6a: {  	_ =	shalt  }
0x6b: {  	_ =	shalt  }
0x6c: {  	_ =	shalt  }
0x6d: {  	_ =	shalt  }
0x6e: {  	_ =	shalt  }
0x6f: {  	_ =	shalt  }
0x70: {  	_ =	shalt  }
0x71: {  	_ =	shalt  }
0x72: {  	_ =	shalt  }
0x73: {  	_ =	shalt  }
0x74: {  	_ =	shalt  }
0x75: {  	_ =	shalt  }
0x76: {  	_ =	shalt  }
0x77: {  	_ =	shalt  }
0x78: {  	_ =	shalt  }
0x79: {  	_ =	shalt  }
0x7a: {  	_ =	shalt  }
0x7b: {  	_ =	shalt  }
0x7c: {  	_ =	shalt  }
0x7d: {  	_ =	shalt  }
0x7e: {  	_ =	shalt  }
0x7f: {  	_ =	shalt  }
0x80: {  	_ =	shalt  }
0x81: {  	_ =	shalt  }
0x82: {  	_ =	shalt  }
0x83: {  	_ =	shalt  }
0x84: {  	_ =	shalt  }
0x85: {  	_ =	shalt  }
0x86: {  	_ =	shalt  }
0x87: {  	_ =	shalt  }
.Lfunc_end0:
.L_simem_size_0:
called_computation_lowered:
.L_overlay_start_0:
0x88: {  	s2 =	sld [smem:$0x3FD9]  }
0x89: {  	s3 =	sld [smem:$0x3FFE];
	_ =	sdelay $0x1  }
0x8a: {  	s1 =	srdreg.scid  }
0x8b: {  	s0 =	sand.u32 $0x1, s1  }
0x8c: {  	s17 =	sshll.u32 s0, $0xA;
	s2 =	sadd.s32 s3, s2  }
0x8d: {  	s2 =	sadd.s32 s2, s17  }
0x8e: {  	[smem:$0x3FC2] =	sst s2  }
0x8f: {  	_ = 	snop  }
0x90: {  	s2 =	sld [smem:$0x3FC8]  }
0x91: {  	s18 =	sld [smem:$0x3FC7];
	(tm) =	ssettm $0x1  }
0x92: {  	s4 =	sld [smem:$0x3FFB];
	_ =	sdelay $0x3  }
0x93: {  	_ =	strace s4  }
0x94: {  	s4 =	sld [smem:$0x3FFC];
	_ =	sdelay $0x3  }
0x95: {  	_ =	strace s4  }
0x96: {  	s4 =	sld [smem:$0x3FFD];
	_ =	sdelay $0x3  }
0x97: {  	_ =	strace s4  }
0x98: {  	_ =	strace $0x8FFFFFFF  }
0x99: {  	s19 =	sld [smem:$0x3FDB];
	_ =	sdelay $0x1  }
0x9a: {  	s5 =	simm.s32 $_scs_section_size  }
0x9b: {  	s6 =	simm.s32 $_size__tile_overlayer_lowered;
	s7 =	simm.s32 $_tile_overlayer_lowered  }
0x9c: {  	s22 =	simm.s32 $0x1BFF;
	s21 =	sshll.u32 s7, $0x1;
	s4 =	sadd.s32 s5, s19  }
0x9d: {  	s8 =	simm.s32 $0x0;
	s20 =	sshll.u32 s6, $0x1;
	s6 =	sadd.s32 s21, s4  }
0x9e: {  	[timem:s8], [sflag:s22] =	dma.local [hbm:s6], s20  }
0x9f: {  	_ =	swait.ge [sflag:s22], s20  }
0xa0: {  	s5 =	ssub.s32 $0x0, s20;
	[sflag:s22] =	ssyncset.done $0x0  }
0xa1: {  	[sflag:s22] =	ssyncadd.s32 s5;
	_ =	sdelay $0x1  }
0xa2: {  	s23 =	simm.s32 $0x1B8B  }
0xa3: {  	_ =	swait.ge [sflag:s23], $0x1  }
0xa4: {  	[sflag:s23] =	ssyncset.done $0x0  }
0xa5: {  	s25 =	simm.s32 $0x1B8E;
	s24 =	sld [smem:$0x3FFE];
	[sflag:s23] =	ssyncadd.s32 $0xFFFFFFFF  }
0xa6: {  	s26 =	simm.s32 $execute0_lowered;
	[smem:$0x3FD2] =	sst s25  }
0xa7: {  	s6 =	sshll.u32 s26, $0x1;
	_ =	strace $0x80000046;
	[dreg:$0x1] =	wrdreg $0xFFFFFFFF  }
0xa8: {  	s28 =	simm.s32 $_size_execute0_lowered;
	s4 =	sadd.s32 s4, s6;
	[dreg:$0x0] =	wrdreg $0x0  }
0xa9: {  	s6 =	sshll.u32 s28, $0x1;
	[dreg:$0x2] =	wrdreg s4  }
0xaa: {  	[dreg:$0x3] =	wrdreg s6  }
0xab: {  	[dreg:$0x4] =	wrdreg $0xC0  }
0xac: {  	_ =	task [dreg:s8], $0x5FFFF  }
0xad: {  	[dreg:$0x1] =	wrdreg $0xFFFFFFFF  }
0xae: {  	[dreg:$0x0] =	wrdreg $0x60  }
0xaf: {  	[dreg:$0x2] =	wrdreg s2  }
0xb0: {  	[dreg:$0x3] =	wrdreg s18  }
0xb1: {  	[dreg:$0x4] =	wrdreg s24  }
0xb2: {  	[dreg:$0x5] =	wrdreg $0x9  }
0xb3: {  	_ =	task.clear_ibuf [dreg:s8], $0x6FFFF;
	_ =	strace $0x90000046  }
0xb4: {  	s29 =	simm.s32 $0x9;
	_ =	strace $0x80000048  }
0xb5: {  	_ =	swait.ge [sflag:s29], $0x1  }
0xb6: {  	[sflag:s29] =	ssyncadd.s32 $0xFFFFFFFF  }
0xb7: {  	_ =	strace $0x90000048  }
0xb8: {  	_ =	sfence  }
0xb9: {  	s30 =	sld [smem:$0x0];
	_ =	sdelay $0x2  }
0xba: {  	s31 =	sshll.u32 s1, $0xD;
	s1 =	sshrl.u32 s1, $0x2  }
0xbb: {  	s3 =	sand.u32 $0x4000, s31;
	s1 =	sadd.s32 s1, s30  }
0xbc: {  	s0 =	sor.u32 s3, s0;
	s1 =	sshll.u32 s1, $0x11  }
0xbd: {  	s0 =	sor.u32 s1, s0  }
0xbe: {  	s0 =	sadd.s32 $0x8F2B, s0  }
0xbf: {  	[sflag:s0] =	ssyncadd.remote.s32 $0x1  }
0xc0: {  	_ =	sfence.sel $0xFFFF  }
0xc1: {  	[dreg:$0x0] =	wrdreg $0xFFFFFFFF;
	(pc) =	sbr.abs _section_cstart, $3  }
0xc2: {  	[dreg:$0x1] =	wrdreg $0xFFFFFFFF  }
0xc3: {  	_ =	task.clear_ibuf [dreg:s8], $0x2FFFF;
	_ =	strace $0x9FFFFFFF  }
0xc4: {  	(tm) =	ssettm $0x7FFFFFFF  }
0xc5: {  	_ =	shalt  }
tec
execute0_lowered:
.L_overlay_start_1:
0x0: {  	(tag) =	ssettag $0x1  }
0x1: {  	s1 =	rddreg [dreg:$0x0]  }
0x2: {  	s0 =	srdreg.scid;
	s3 =	rddreg [dreg:$0x1]  }
0x3: {  	s2 =	stileid.u32;
	s5 =	rddreg [dreg:$0x2];
	s4 =	simm.s32 $0x0  }
0x4: {  	s8 =	simm.s32 $0x600;
	s9 =	simm.s32 $0x680;
	s11 =	simm.s32 $0x700  }
0x5: {  	s13 =	simm.s32 $0x780;
	s15 =	simm.s32 $0x800;
	s17 =	simm.s32 $0x880  }
0x6: {  	s19 =	simm.s32 $0x900;
	s21 =	simm.s32 $0x980;
	s23 =	simm.s32 $0xA00  }
0x7: {  	s25 =	simm.s32 $0xA80;
	s28 =	simm.s32 $0xB00;
	s30 =	simm.s32 $0xB80  }
0x8: {  	s31 =	simm.s32 $0x1;
	s18 =	simm.s32 $0xF00;
	s20 =	simm.s32 $0xF80  }
0x9: {  	s22 =	simm.s32 $0x1000;
	s0 =	sand.u32 $0x1, s0;
	s2 =	sshll.u32 s2, $0x1  }
0xa: {  	v0 =	vlaneseq.u32;
	s24 =	simm.s32 $0x1080;
	s26 =	simm.s32 $0x1100;
	s2 =	sor.u32 s0, s2  }
0xb: {  	s29 =	simm.s32 $0x1180;
	v1 =	vand.u32 $0x1, v0;
	s0 =	ssub.s32 $0x2, s0;
	s2 =	smul.u32 $0x600, s2  }
0xc: {  	s10 =	simm.s32 $0x0;
	[smem:$0x7FF] =	sst s4;
	v1 =	vmul.u32 $0x300, v1;
	s7 =	sshrl.u32 s0, $0x1  }
0xd: {  	_ =	strace $0x80000047;
	s0 =	ssub.s32 s0, s7;
	s6 =	sshrl.u32 s2, $0x3  }
0xe: {  	s7 =	simm.s32 $0x80;
	v1 =	vadd.s32 s2, v1;
	s2 =	simm.s32 $0x1200;
	s5 =	sadd.s32 s6, s5  }
0xf: {  	s6 =	smax.u32 s0, $0x1;
	s0 =	simm.s32 $0x2;
	s5 =	sadd.s32 $0x1200, s5  }
.LBB2_1:
0x10: {  	v2 =	vor.u32 s4, v0  }
0x11: {  	v2 =	vshrl.u32 v2, $0x1  }
0x12: {  	v2 =	vadd.s32 v2, v1  }
0x13: {  	s12 =	simm.s32 $0x10;
	s14 =	simm.s32 $0x0;
	[tilespmem:s4+$0x0] =	vst v2  }
.LBB2_2:
0x14: {  	p0 =	sne.s32 s12, $0x5F0  }
.Ltmp0:
0x15: {  	_ = 	snop;
	(pc) =	sbr.rel @p0 .LBB2_2-.Ltmp0, $4  }
0x16: {  	v2 =	vor.u32 s12, v0  }
0x17: {  	v2 =	vshrl.u32 v2, $0x1  }
0x18: {  	s14 =	sadd.s32 $0x10, s14;
	v2 =	vadd.s32 v2, v1  }
0x19: {  	s12 =	sadd.s32 $0x10, s12;
	[tilespmem:s14+$0x0] =	vst v2  }
0x1a: {  	s12 =	simm.s32 $0x0  }
0x1b: {  	[tilespmem:s8], [sflag:$0x1] =	stream.indirect.gather [hbm4b:s1+s7], $0x1, s12, s7, $0xb8;
	[tilespmem:$0x1800] =	vst v63  }
0x1c: {  	_ = 	snop  }
0x1d: {  	[tilespmem:s9], [sflag:$0x1] =	stream.indirect.gather [hbm4b:s1+s7], $0x1, s7, s7, $0xb8;
	[tilespmem:$0x1800] =	vst v63  }
0x1e: {  	s14 =	simm.s32 $0x100  }
0x1f: {  	[tilespmem:s11], [sflag:$0x1] =	stream.indirect.gather [hbm4b:s1+s7], $0x1, s14, s7, $0xb8;
	[tilespmem:$0x1800] =	vst v63  }
0x20: {  	s16 =	simm.s32 $0x180  }
0x21: {  	[tilespmem:s13], [sflag:$0x1] =	stream.indirect.gather [hbm4b:s1+s7], $0x1, s16, s7, $0xb8;
	[tilespmem:$0x1800] =	vst v63  }
0x22: {  	s14 =	simm.s32 $0x200  }
0x23: {  	[tilespmem:s15], [sflag:$0x1] =	stream.indirect.gather [hbm4b:s1+s7], $0x1, s14, s7, $0xb8;
	[tilespmem:$0x1800] =	vst v63  }
0x24: {  	s16 =	simm.s32 $0x280  }
0x25: {  	[tilespmem:s17], [sflag:$0x1] =	stream.indirect.gather [hbm4b:s1+s7], $0x1, s16, s7, $0xb8;
	[tilespmem:$0x1800] =	vst v63  }
0x26: {  	s14 =	simm.s32 $0x300  }
0x27: {  	[tilespmem:s19], [sflag:$0x1] =	stream.indirect.gather [hbm4b:s1+s7], $0x1, s14, s7, $0xb8;
	[tilespmem:$0x1800] =	vst v63  }
0x28: {  	s16 =	simm.s32 $0x380  }
0x29: {  	[tilespmem:s21], [sflag:$0x1] =	stream.indirect.gather [hbm4b:s1+s7], $0x1, s16, s7, $0xb8;
	[tilespmem:$0x1800] =	vst v63  }
0x2a: {  	s14 =	simm.s32 $0x400  }
0x2b: {  	[tilespmem:s23], [sflag:$0x1] =	stream.indirect.gather [hbm4b:s1+s7], $0x1, s14, s7, $0xb8;
	[tilespmem:$0x1800] =	vst v63  }
0x2c: {  	s16 =	simm.s32 $0x480  }
0x2d: {  	[tilespmem:s25], [sflag:$0x1] =	stream.indirect.gather [hbm4b:s1+s7], $0x1, s16, s7, $0xb8;
	[tilespmem:$0x1800] =	vst v63  }
0x2e: {  	s14 =	simm.s32 $0x500  }
0x2f: {  	[tilespmem:s28], [sflag:$0x1] =	stream.indirect.gather [hbm4b:s1+s7], $0x1, s14, s7, $0xb8;
	[tilespmem:$0x1800] =	vst v63  }
0x30: {  	s16 =	simm.s32 $0x580  }
0x31: {  	[tilespmem:s30], [sflag:$0x1] =	stream.indirect.gather [hbm4b:s1+s7], $0x1, s16, s7, $0xb8;
	[tilespmem:$0x1800] =	vst v63  }
0x32: {  	_ =	swait.ge [sflag:s31], $0x80  }
0x33: {  	[sflag:s31] =	ssyncset.done $0x0  }
0x34: {  	[sflag:s31] =	ssyncadd.s32 $0xFFFFFF80  }
0x35: {  	_ =	swait.ge [sflag:s31], $0x80  }
0x36: {  	[sflag:s31] =	ssyncset.done $0x0  }
0x37: {  	[sflag:s31] =	ssyncadd.s32 $0xFFFFFF80  }
0x38: {  	_ =	swait.ge [sflag:s31], $0x80  }
0x39: {  	[sflag:s31] =	ssyncset.done $0x0  }
0x3a: {  	[sflag:s31] =	ssyncadd.s32 $0xFFFFFF80  }
0x3b: {  	_ =	swait.ge [sflag:s31], $0x80  }
0x3c: {  	[sflag:s31] =	ssyncset.done $0x0  }
0x3d: {  	[sflag:s31] =	ssyncadd.s32 $0xFFFFFF80  }
0x3e: {  	_ =	swait.ge [sflag:s31], $0x80  }
0x3f: {  	[sflag:s31] =	ssyncset.done $0x0  }
0x40: {  	[sflag:s31] =	ssyncadd.s32 $0xFFFFFF80  }
0x41: {  	_ =	swait.ge [sflag:s31], $0x80  }
0x42: {  	[sflag:s31] =	ssyncset.done $0x0  }
0x43: {  	[sflag:s31] =	ssyncadd.s32 $0xFFFFFF80  }
0x44: {  	_ =	swait.ge [sflag:s31], $0x80  }
0x45: {  	[sflag:s31] =	ssyncset.done $0x0  }
0x46: {  	[sflag:s31] =	ssyncadd.s32 $0xFFFFFF80  }
0x47: {  	_ =	swait.ge [sflag:s31], $0x80  }
0x48: {  	[sflag:s31] =	ssyncset.done $0x0  }
0x49: {  	[sflag:s31] =	ssyncadd.s32 $0xFFFFFF80  }
0x4a: {  	_ =	swait.ge [sflag:s31], $0x80  }
0x4b: {  	[sflag:s31] =	ssyncset.done $0x0  }
0x4c: {  	[sflag:s31] =	ssyncadd.s32 $0xFFFFFF80  }
0x4d: {  	_ =	swait.ge [sflag:s31], $0x80  }
0x4e: {  	[sflag:s31] =	ssyncset.done $0x0  }
0x4f: {  	[sflag:s31] =	ssyncadd.s32 $0xFFFFFF80  }
0x50: {  	_ =	swait.ge [sflag:s31], $0x80  }
0x51: {  	[sflag:s31] =	ssyncset.done $0x0  }
0x52: {  	[sflag:s31] =	ssyncadd.s32 $0xFFFFFF80  }
0x53: {  	_ =	swait.ge [sflag:s31], $0x80  }
0x54: {  	[sflag:s31] =	ssyncset.done $0x0  }
0x55: {  	s14 =	simm.s32 $0xC00;
	[sflag:s31] =	ssyncadd.s32 $0xFFFFFF80  }
0x56: {  	[tilespmem:s14], [sflag:$0x1] =	stream.indirect.gather [hbm4b:s3+s7], $0x1, s8, s7, $0xb8;
	[tilespmem:$0x1800] =	vst v63  }
0x57: {  	s16 =	simm.s32 $0xC80  }
0x58: {  	[tilespmem:s16], [sflag:$0x1] =	stream.indirect.gather [hbm4b:s3+s7], $0x1, s9, s7, $0xb8;
	[tilespmem:$0x1800] =	vst v63  }
0x59: {  	s14 =	simm.s32 $0xD00  }
0x5a: {  	[tilespmem:s14], [sflag:$0x1] =	stream.indirect.gather [hbm4b:s3+s7], $0x1, s11, s7, $0xb8;
	[tilespmem:$0x1800] =	vst v63  }
0x5b: {  	s16 =	simm.s32 $0xD80  }
0x5c: {  	[tilespmem:s16], [sflag:$0x1] =	stream.indirect.gather [hbm4b:s3+s7], $0x1, s13, s7, $0xb8;
	[tilespmem:$0x1800] =	vst v63  }
0x5d: {  	s14 =	simm.s32 $0xE00  }
0x5e: {  	[tilespmem:s14], [sflag:$0x1] =	stream.indirect.gather [hbm4b:s3+s7], $0x1, s15, s7, $0xb8;
	[tilespmem:$0x1800] =	vst v63  }
0x5f: {  	s16 =	simm.s32 $0xE80  }
0x60: {  	[tilespmem:s16], [sflag:$0x1] =	stream.indirect.gather [hbm4b:s3+s7], $0x1, s17, s7, $0xb8;
	[tilespmem:$0x1800] =	vst v63  }
0x61: {  	_ = 	snop  }
0x62: {  	[tilespmem:s18], [sflag:$0x1] =	stream.indirect.gather [hbm4b:s3+s7], $0x1, s19, s7, $0xb8;
	[tilespmem:$0x1800] =	vst v63  }
0x63: {  	_ = 	snop  }
0x64: {  	[tilespmem:s20], [sflag:$0x1] =	stream.indirect.gather [hbm4b:s3+s7], $0x1, s21, s7, $0xb8;
	[tilespmem:$0x1800] =	vst v63  }
0x65: {  	_ = 	snop  }
0x66: {  	[tilespmem:s22], [sflag:$0x1] =	stream.indirect.gather [hbm4b:s3+s7], $0x1, s23, s7, $0xb8;
	[tilespmem:$0x1800] =	vst v63  }
0x67: {  	_ = 	snop  }
0x68: {  	[tilespmem:s24], [sflag:$0x1] =	stream.indirect.gather [hbm4b:s3+s7], $0x1, s25, s7, $0xb8;
	[tilespmem:$0x1800] =	vst v63  }
0x69: {  	_ = 	snop  }
0x6a: {  	[tilespmem:s26], [sflag:$0x1] =	stream.indirect.gather [hbm4b:s3+s7], $0x1, s28, s7, $0xb8;
	[tilespmem:$0x1800] =	vst v63  }
0x6b: {  	_ = 	snop  }
0x6c: {  	[tilespmem:s29], [sflag:$0x1] =	stream.indirect.gather [hbm4b:s3+s7], $0x1, s30, s7, $0xb8;
	[tilespmem:$0x1800] =	vst v63  }
0x6d: {  	_ =	swait.ge [sflag:s31], $0x80  }
0x6e: {  	[sflag:s31] =	ssyncset.done $0x0  }
0x6f: {  	[sflag:s31] =	ssyncadd.s32 $0xFFFFFF80  }
0x70: {  	_ =	swait.ge [sflag:s31], $0x80  }
0x71: {  	[sflag:s31] =	ssyncset.done $0x0  }
0x72: {  	[sflag:s31] =	ssyncadd.s32 $0xFFFFFF80  }
0x73: {  	_ =	swait.ge [sflag:s31], $0x80  }
0x74: {  	[sflag:s31] =	ssyncset.done $0x0  }
0x75: {  	[sflag:s31] =	ssyncadd.s32 $0xFFFFFF80  }
0x76: {  	_ =	swait.ge [sflag:s31], $0x80  }
0x77: {  	[sflag:s31] =	ssyncset.done $0x0  }
0x78: {  	[sflag:s31] =	ssyncadd.s32 $0xFFFFFF80  }
0x79: {  	_ =	swait.ge [sflag:s31], $0x80  }
0x7a: {  	[sflag:s31] =	ssyncset.done $0x0  }
0x7b: {  	[sflag:s31] =	ssyncadd.s32 $0xFFFFFF80  }
0x7c: {  	_ =	swait.ge [sflag:s31], $0x80  }
0x7d: {  	[sflag:s31] =	ssyncset.done $0x0  }
0x7e: {  	[sflag:s31] =	ssyncadd.s32 $0xFFFFFF80  }
0x7f: {  	_ =	swait.ge [sflag:s31], $0x80  }
0x80: {  	[sflag:s31] =	ssyncset.done $0x0  }
0x81: {  	[sflag:s31] =	ssyncadd.s32 $0xFFFFFF80  }
0x82: {  	_ =	swait.ge [sflag:s31], $0x80  }
0x83: {  	[sflag:s31] =	ssyncset.done $0x0  }
0x84: {  	[sflag:s31] =	ssyncadd.s32 $0xFFFFFF80  }
0x85: {  	_ =	swait.ge [sflag:s31], $0x80  }
0x86: {  	[sflag:s31] =	ssyncset.done $0x0  }
0x87: {  	[sflag:s31] =	ssyncadd.s32 $0xFFFFFF80  }
0x88: {  	_ =	swait.ge [sflag:s31], $0x80  }
0x89: {  	[sflag:s31] =	ssyncset.done $0x0  }
0x8a: {  	[sflag:s31] =	ssyncadd.s32 $0xFFFFFF80  }
0x8b: {  	_ =	swait.ge [sflag:s31], $0x80  }
0x8c: {  	[sflag:s31] =	ssyncset.done $0x0  }
0x8d: {  	[sflag:s31] =	ssyncadd.s32 $0xFFFFFF80  }
0x8e: {  	_ =	swait.ge [sflag:s31], $0x80  }
0x8f: {  	[sflag:s31] =	ssyncset.done $0x0  }
0x90: {  	s12 =	simm.s32 $0x0;
	[sflag:s31] =	ssyncadd.s32 $0xFFFFFF80  }
0x91: {  	s14 =	simm.s32 $0x40;
	v2 =	vld [tilespmem:s12+$0xC00]  }
.LBB2_4:
0x92: {  	_ =	sdelay $0x1  }
0x93: {  	p0 =	sne.s32 s14, $0x17C0  }
.Ltmp1:
0x94: {  	_ = 	snop;
	(pc) =	sbr.rel @p0 .LBB2_4-.Ltmp1, $4  }
0x95: {  	v3 =	vshll.u32 v2, $0x1  }
0x96: {  	vm0 =	vgt.s32 v2, $0x5FFF;
	v4 =	vadd.s32 $0xFFFF4001, v3  }
0x97: {  	s16 =	sshra.s32 s14, $0x2;
	v3 =	vsel vm0, v4, v3  }
0x98: {  	s14 =	sadd.s32 $0x40, s14;
	v2 =	vld [tilespmem:s16+$0xC00];
	[tilespmem:s12+$0x1200] =	vst v3;
	s12 =	smov.u32 s16  }
0x99: {  	_ =	sdelay $0x3  }
0x9a: {  	v3 =	vshll.u32 v2, $0x1  }
0x9b: {  	s10 =	sadd.s32 $0x1, s10;
	vm0 =	vgt.s32 v2, $0x5FFF;
	v2 =	vadd.s32 $0xFFFF4001, v3  }
0x9c: {  	p0 =	sne.s32 s10, s6;
	v2 =	vsel vm0, v2, v3  }
.Ltmp2:
0x9d: {  	[tilespmem:s12+$0x1200] =	vst v2;
	(pc) =	sbr.rel @p0 .LBB2_1-.Ltmp2, $4  }
0x9e: {  	[hbm4b:s5+s4] =	stream.linear.scatter [tilespmem:s2], [sflag:$0x2], $0x600, $0x38;
	[tilespmem:$0x1800] =	vst v63  }
0x9f: {  	_ =	swait.ge [sflag:s0], $0x600  }
0xa0: {  	[sflag:s0] =	ssyncset.done $0x0  }
0xa1: {  	[sflag:s0] =	ssyncadd.s32 $0xFFFFFA00  }
0xa2: {  	_ =	sfence.sel $0x180000  }
0xa3: {  	[bflag:$0x0] =	sbarrier.arrive $0xFFFF  }
0xa4: {  	_ =	strace $0x90000047  }
0xa5: {  	s0 =	stileid.u32;
	[bflag:$0x2] =	sbarrier.arrive $0xFFFF  }
0xa6: {  	p0 =	sne.s32 s0, $0x0;
	s0 =	rddreg [dreg:$0x3]  }
0xa7: {  	s0 =	sadd.s32 @!p0 $0x100000, s0  }
0xa8: {  	[sflag:s0] =	ssyncadd.tile.s32 @!p0 $0x1;
	_ =	shalt  }
.Lfunc_end2:
_tile_overlayer_lowered:
.L_overlay_start_2:
0xa9: {  	(tag) =	ssettag $0x2  }
0xaa: {  	s0 =	rddreg [dreg:$0x0];
	s2 =	stileid.u32  }
0xab: {  	s1 =	rddreg [dreg:$0x1];
	p0 =	sne.s32 s2, $0x0  }
0xac: {  	s3 =	rddreg [dreg:$0x2];
	[bflag:$0x3] =	sbarrier.arrive $0xFFFF;
	s2 =	simm.s32 @!p0 $0x1C02  }
0xad: {  	[timem:s3], [sflag:s2] =	dma.local @!p0 [hbm:s0], s1  }
0xae: {  	s0 =	simm.s32 @!p0 $0x2  }
0xaf: {  	_ =	swait.ge @!p0 [sflag:s0], s1  }
0xb0: {  	s1 =	ssub.s32 @!p0 $0x0, s1;
	[sflag:s0] =	ssyncset.done @!p0 $0x0  }
0xb1: {  	[sflag:s0] =	ssyncadd.s32 @!p0 s1  }
0xb2: {  	[bflag:$0x3] =	sbarrier.arrive $0xFFFF  }
0xb3: {  	_ =	shalt  }

// kernel: kernel.9.cloned.1.call-start
scs
__scs_entry_jumppad:
0x0: {  	(pc) =	sbr.rel $0x88, $3  }
0x1: {  	(tag) =	ssettag $0x0;
	lr =	simm.s32 $0x1  }
0x2: {  	[smem:$0x3F9B] =	sst lr;
	_ =	strace $0xD0000000  }
0x3: {  	_ = 	snop  }
0x4: {  	_ = 	snop  }
0x5: {  	_ = 	snop  }
0x6: {  	_ = 	snop  }
0x7: {  	_ = 	snop  }
__scs_overlays_trampoline_lowered:
0x8: {  	[smem:$0x3FAA] =	sst s0  }
0x9: {  	[smem:$0x3FAB] =	sst s1  }
0xa: {  	[smem:$0x3FAC] =	sst s2  }
0xb: {  	[smem:$0x3FAD] =	sst s3  }
0xc: {  	[smem:$0x3FAE] =	sst s4  }
0xd: {  	[smem:$0x3FAF] =	sst s5  }
0xe: {  	[smem:$0x3FB0] =	sst s6  }
0xf: {  	[smem:$0x3FB1] =	sst s7  }
0x10: {  	[smem:$0x3FB2] =	sst s8  }
0x11: {  	[smem:$0x3FB3] =	sst s9;
	s0 =	simm.s32 @!p0 $0x0  }
0x12: {  	s1 =	sld [smem:$0x3F99];
	s0 =	simm.s32 @p0 $0x1  }
0x13: {  	[smem:$0x3FB4] =	sst s0;
	s0 =	simm.s32 @!p1 $0x0  }
0x14: {  	s2 =	sld [smem:$0x3F98];
	s0 =	simm.s32 @p1 $0x1  }
0x15: {  	[smem:$0x3FB5] =	sst s0;
	s0 =	simm.s32 @!p2 $0x0  }
0x16: {  	s3 =	sld [smem:$0x3FDB];
	s0 =	simm.s32 @p2 $0x1  }
0x17: {  	s4 =	simm.s32 $0x1BF5;
	[smem:$0x3FB7] =	sst s0  }
0x18: {  	s0 =	sld [smem:$0x3F9A];
	_ =	swait.ge [sflag:s4], $0x0  }
0x19: {  	s7 =	sld [smem:$0x3F9B]  }
0x1a: {  	s8 =	sadd.s32 $0xFFFFE003, lr  }
0x1b: {  	s9 =	sadd.s32 $0xFFFFFEF7, lr;
	s5 =	simm.s32 $0xFFFFFFFF;
	p2 =	slt.u32 s8, $0xFFFFF086  }
0x1c: {  	p1 =	slt.u32 s9, $0xF7A;
	s5 =	simm.s32 @!p2 $0x0  }
0x1d: {  	s5 =	simm.s32 @p1 $0x1;
	p0 =	seq.s32 s7, s2  }
0x1e: {  	s7 =	smul.u32 @!p0 $0xF7A, s2;
	p2 =	seq.s32 @!p0 s5, $0x0  }
0x1f: {  	s9 =	smul.u32 $0xF7A, s1;
	s8 =	simm.s32 @!p0 $0x1BF5;
	p2 =	por !p2, p0  }
0x20: {  	[sflag:s8] =	ssyncset.s32 @!p0 $0xFFFFF086;
	s6 =	sadd.s32 @!p0 s3, s7;
	s7 =	simm.s32 @!p0 $0x108  }
0x21: {  	s3 =	sadd.s32 s3, s9;
	s6 =	sadd.s32 @!p0 $0x88, s6;
	s7 =	simm.s32 @p2 $0x1082  }
0x22: {  	[simem:s7], [sflag:s8] =	dma.local @!p0 [hbm:s6], $0xF7A  }
0x23: {  	s9 =	sor.u32 $0xD0000000, s2;
	s6 =	simm.s32 $0x108;
	_ =	swait.ge @!p0 [sflag:s8], $0x0  }
0x24: {  	s3 =	sadd.s32 $0x88, s3;
	s6 =	simm.s32 @!p1 $0x1082;
	[sflag:s4] =	ssyncset.s32 $0xFFFFF086  }
0x25: {  	[simem:s6], [sflag:s4] =	dma.local [hbm:s3], $0xF7A  }
0x26: {  	[smem:$0x3F9B] =	sst s1;
	(tag) =	ssettag s2;
	_ =	strace s9  }
0x27: {  	s1 =	sld [smem:$0x3FAB]  }
0x28: {  	s2 =	sld [smem:$0x3FAC]  }
0x29: {  	s4 =	sld [smem:$0x3FAE]  }
0x2a: {  	p0 =	seq.s32 s5, $0x0;
	s5 =	sld [smem:$0x3FAF]  }
0x2b: {  	s6 =	sld [smem:$0x3FB0]  }
0x2c: {  	s7 =	sld [smem:$0x3FB1]  }
0x2d: {  	s3 =	simm.s32 $0x108;
	s8 =	sld [smem:$0x3FB2]  }
0x2e: {  	s3 =	simm.s32 @!p0 $0x1082;
	s9 =	sld [smem:$0x3FB3]  }
0x2f: {  	lr =	sadd.s32 s0, s3;
	s0 =	sld [smem:$0x3FAA]  }
0x30: {  	s3 =	sld [smem:$0x3FAD]  }
0x31: {  	[smem:$0x3FB6] =	sst s10  }
0x32: {  	s10 =	sld [smem:$0x3FB4];
	_ =	sdelay $0x3  }
0x33: {  	p0 =	seq.s32 s10, $0x1;
	s10 =	sld [smem:$0x3FB6];
	_ =	sdelay $0x3  }
0x34: {  	[smem:$0x3FB6] =	sst s10  }
0x35: {  	s10 =	sld [smem:$0x3FB5];
	_ =	sdelay $0x3  }
0x36: {  	p1 =	seq.s32 s10, $0x1;
	s10 =	sld [smem:$0x3FB6];
	_ =	sdelay $0x3  }
0x37: {  	[smem:$0x3FB6] =	sst s10  }
0x38: {  	s10 =	sld [smem:$0x3FB7]  }
0x39: {  	_ = 	snop;
	(pc) =	sbr.ind lr, $3  }
0x3a: {  	_ = 	snop  }
0x3b: {  	_ = 	snop  }
0x3c: {  	p2 =	seq.s32 s10, $0x1;
	s10 =	sld [smem:$0x3FB6]  }
0x3d: {  	_ =	shalt  }
0x3e: {  	_ =	shalt  }
0x3f: {  	_ =	shalt  }
0x40: {  	_ =	shalt  }
0x41: {  	_ =	shalt  }
0x42: {  	_ =	shalt  }
0x43: {  	_ =	shalt  }
0x44: {  	_ =	shalt  }
0x45: {  	_ =	shalt  }
0x46: {  	_ =	shalt  }
0x47: {  	_ =	shalt  }
0x48: {  	_ =	shalt  }
0x49: {  	_ =	shalt  }
0x4a: {  	_ =	shalt  }
0x4b: {  	_ =	shalt  }
0x4c: {  	_ =	shalt  }
0x4d: {  	_ =	shalt  }
0x4e: {  	_ =	shalt  }
0x4f: {  	_ =	shalt  }
0x50: {  	_ =	shalt  }
0x51: {  	_ =	shalt  }
0x52: {  	_ =	shalt  }
0x53: {  	_ =	shalt  }
0x54: {  	_ =	shalt  }
0x55: {  	_ =	shalt  }
0x56: {  	_ =	shalt  }
0x57: {  	_ =	shalt  }
0x58: {  	_ =	shalt  }
0x59: {  	_ =	shalt  }
0x5a: {  	_ =	shalt  }
0x5b: {  	_ =	shalt  }
0x5c: {  	_ =	shalt  }
0x5d: {  	_ =	shalt  }
0x5e: {  	_ =	shalt  }
0x5f: {  	_ =	shalt  }
0x60: {  	_ =	shalt  }
0x61: {  	_ =	shalt  }
0x62: {  	_ =	shalt  }
0x63: {  	_ =	shalt  }
0x64: {  	_ =	shalt  }
0x65: {  	_ =	shalt  }
0x66: {  	_ =	shalt  }
0x67: {  	_ =	shalt  }
0x68: {  	_ =	shalt  }
0x69: {  	_ =	shalt  }
0x6a: {  	_ =	shalt  }
0x6b: {  	_ =	shalt  }
0x6c: {  	_ =	shalt  }
0x6d: {  	_ =	shalt  }
0x6e: {  	_ =	shalt  }
0x6f: {  	_ =	shalt  }
0x70: {  	_ =	shalt  }
0x71: {  	_ =	shalt  }
0x72: {  	_ =	shalt  }
0x73: {  	_ =	shalt  }
0x74: {  	_ =	shalt  }
0x75: {  	_ =	shalt  }
0x76: {  	_ =	shalt  }
0x77: {  	_ =	shalt  }
0x78: {  	_ =	shalt  }
0x79: {  	_ =	shalt  }
0x7a: {  	_ =	shalt  }
0x7b: {  	_ =	shalt  }
0x7c: {  	_ =	shalt  }
0x7d: {  	_ =	shalt  }
0x7e: {  	_ =	shalt  }
0x7f: {  	_ =	shalt  }
0x80: {  	_ =	shalt  }
0x81: {  	_ =	shalt  }
0x82: {  	_ =	shalt  }
0x83: {  	_ =	shalt  }
0x84: {  	_ =	shalt  }
0x85: {  	_ =	shalt  }
0x86: {  	_ =	shalt  }
0x87: {  	_ =	shalt  }
.Lfunc_end0:
.L_simem_size_0:
called_computation.1_lowered:
.L_overlay_start_0:
0x88: {  	s2 =	sld [smem:$0x3FD9]  }
0x89: {  	s3 =	sld [smem:$0x3FFE];
	_ =	sdelay $0x1  }
0x8a: {  	s1 =	srdreg.scid  }
0x8b: {  	s0 =	sand.u32 $0x1, s1  }
0x8c: {  	s17 =	sshll.u32 s0, $0xA;
	s2 =	sadd.s32 s3, s2  }
0x8d: {  	s2 =	sadd.s32 s2, s17  }
0x8e: {  	[smem:$0x3FC2] =	sst s2  }
0x8f: {  	_ = 	snop  }
0x90: {  	s2 =	sld [smem:$0x3FD0];
	(tm) =	ssettm $0x1  }
0x91: {  	s18 =	sld [smem:$0x3FFB];
	_ =	sdelay $0x3  }
0x92: {  	_ =	strace s18  }
0x93: {  	s3 =	sld [smem:$0x3FFC];
	_ =	sdelay $0x3  }
0x94: {  	_ =	strace s3  }
0x95: {  	s3 =	sld [smem:$0x3FFD];
	_ =	sdelay $0x3  }
0x96: {  	_ =	strace s3  }
0x97: {  	_ =	strace $0x8FFFFFFF  }
0x98: {  	s19 =	sld [smem:$0x3FDB];
	_ =	sdelay $0x1  }
0x99: {  	s4 =	simm.s32 $_scs_section_size  }
0x9a: {  	s5 =	simm.s32 $_size__tile_overlayer_lowered;
	s6 =	simm.s32 $_tile_overlayer_lowered  }
0x9b: {  	s22 =	simm.s32 $0x1BFF;
	s21 =	sshll.u32 s6, $0x1;
	s3 =	sadd.s32 s4, s19  }
0x9c: {  	s7 =	simm.s32 $0x0;
	s20 =	sshll.u32 s5, $0x1;
	s5 =	sadd.s32 s21, s3  }
0x9d: {  	[timem:s7], [sflag:s22] =	dma.local [hbm:s5], s20  }
0x9e: {  	_ =	swait.ge [sflag:s22], s20  }
0x9f: {  	s4 =	ssub.s32 $0x0, s20;
	[sflag:s22] =	ssyncset.done $0x0  }
0xa0: {  	[sflag:s22] =	ssyncadd.s32 s4;
	_ =	sdelay $0x1  }
0xa1: {  	s23 =	simm.s32 $0x1B8B  }
0xa2: {  	_ =	swait.ge [sflag:s23], $0x1  }
0xa3: {  	[sflag:s23] =	ssyncset.done $0x0  }
0xa4: {  	s25 =	simm.s32 $0x1B8E;
	s24 =	sld [smem:$0x3FFE];
	[sflag:s23] =	ssyncadd.s32 $0xFFFFFFFF  }
0xa5: {  	s26 =	simm.s32 $execute0_lowered;
	[smem:$0x3FD2] =	sst s25  }
0xa6: {  	s5 =	sshll.u32 s26, $0x1;
	_ =	strace $0x80000049;
	[dreg:$0x1] =	wrdreg $0xFFFFFFFF  }
0xa7: {  	s28 =	simm.s32 $_size_execute0_lowered;
	s3 =	sadd.s32 s3, s5;
	[dreg:$0x0] =	wrdreg $0x0  }
0xa8: {  	s5 =	sshll.u32 s28, $0x1;
	[dreg:$0x2] =	wrdreg s3  }
0xa9: {  	[dreg:$0x3] =	wrdreg s5  }
0xaa: {  	[dreg:$0x4] =	wrdreg $0xC0  }
0xab: {  	_ =	task [dreg:s7], $0x5FFFF  }
0xac: {  	[dreg:$0x1] =	wrdreg $0xFFFFFFFF  }
0xad: {  	[dreg:$0x0] =	wrdreg $0x60  }
0xae: {  	[dreg:$0x2] =	wrdreg s24  }
0xaf: {  	[dreg:$0x3] =	wrdreg s2  }
0xb0: {  	[dreg:$0x4] =	wrdreg $0x9  }
0xb1: {  	_ =	task.clear_ibuf [dreg:s7], $0x5FFFF;
	_ =	strace $0x90000049  }
0xb2: {  	s29 =	simm.s32 $0x9;
	_ =	strace $0x8000004B  }
0xb3: {  	_ =	swait.ge [sflag:s29], $0x1  }
0xb4: {  	[sflag:s29] =	ssyncadd.s32 $0xFFFFFFFF  }
0xb5: {  	_ =	strace $0x9000004B  }
0xb6: {  	_ =	sfence  }
0xb7: {  	s30 =	sld [smem:$0x0];
	_ =	sdelay $0x2  }
0xb8: {  	s31 =	sshll.u32 s1, $0xD;
	s1 =	sshrl.u32 s1, $0x2  }
0xb9: {  	s3 =	sand.u32 $0x4000, s31;
	s1 =	sadd.s32 s1, s30  }
0xba: {  	s0 =	sor.u32 s3, s0;
	s1 =	sshll.u32 s1, $0x11  }
0xbb: {  	s0 =	sor.u32 s1, s0  }
0xbc: {  	s0 =	sadd.s32 $0x8F2B, s0  }
0xbd: {  	[sflag:s0] =	ssyncadd.remote.s32 $0x1  }
0xbe: {  	_ =	sfence.sel $0xFFFF  }
0xbf: {  	[dreg:$0x0] =	wrdreg $0xFFFFFFFF;
	(pc) =	sbr.abs _section_cstart, $3  }
0xc0: {  	[dreg:$0x1] =	wrdreg $0xFFFFFFFF  }
0xc1: {  	_ =	task.clear_ibuf [dreg:s7], $0x2FFFF;
	_ =	strace $0x9FFFFFFF  }
0xc2: {  	(tm) =	ssettm $0x7FFFFFFF  }
0xc3: {  	_ =	shalt  }
tec
execute0_lowered:
.L_overlay_start_1:
0x0: {  	(tag) =	ssettag $0x1  }
0x1: {  	s1 =	srdreg.scid  }
0x2: {  	s0 =	stileid.u32;
	s3 =	rddreg [dreg:$0x0]  }
0x3: {  	s6 =	rddreg [dreg:$0x1];
	s8 =	simm.s32 $0x80;
	s9 =	simm.s32 $0x2600  }
0x4: {  	s10 =	simm.s32 $0x100;
	s11 =	simm.s32 $0x4600;
	s12 =	simm.s32 $0x180  }
0x5: {  	s13 =	simm.s32 $0x6600;
	s14 =	simm.s32 $0x200;
	s15 =	simm.s32 $0x8600  }
0x6: {  	s16 =	simm.s32 $0x280;
	s17 =	simm.s32 $0xA600;
	s18 =	simm.s32 $0x300  }
0x7: {  	s19 =	simm.s32 $0xC600;
	s20 =	simm.s32 $0x380;
	s21 =	simm.s32 $0xE600  }
0x8: {  	s22 =	simm.s32 $0x400;
	s1 =	sand.u32 $0x1, s1;
	s2 =	sshll.u32 s0, $0x1  }
0x9: {  	s23 =	simm.s32 $0x10600;
	s4 =	sor.u32 s1, s2;
	s1 =	ssub.s32 $0x2, s1  }
0xa: {  	s24 =	simm.s32 $0x480;
	s25 =	simm.s32 $0x12600;
	s26 =	sshrl.u32 s1, $0x1  }
0xb: {  	p0 =	por $0x0, $0x0;
	s28 =	simm.s32 $0x14600;
	s1 =	ssub.s32 s1, s26  }
0xc: {  	s29 =	simm.s32 $0x580;
	s5 =	smul.u32 $0xC0, s4;
	s1 =	smax.u32 s1, $0x1  }
0xd: {  	s2 =	simm.s32 $0x0;
	s4 =	smul.u32 $0x3000, s4;
	p1 =	sne.s32 s1, $0x1  }
.Ltmp0:
0xe: {  	s30 =	simm.s32 $0x16600;
	[smem:$0x7FF] =	sst s2;
	(pc) =	sbr.rel @!p1 .LBB2_3-.Ltmp0, $4  }
0xf: {  	s7 =	simm.s32 $0x1;
	_ =	strace $0x8000004A;
	s5 =	sadd.s32 s5, s3  }
0x10: {  	s26 =	simm.s32 $0x500;
	s3 =	sadd.s32 s4, s3;
	s5 =	sadd.s32 $0x1200, s5  }
0x11: {  	s4 =	sadd.s32 $0x2A00, s3;
	s3 =	simm.s32 $0x2;
	[dreg:$0x3] =	wrdreg s5  }
0x12: {  	s31 =	sadd.s32 $0xFFFFFFFF, s1;
	s5 =	simm.s32 $0x600;
	s1 =	rddreg [dreg:$0x3]  }
0x13: {  	[tilespmem:s2], [sflag:$0x2] =	stream.linear.gather [hbm4b:s1+s2], $0x600, $0x38;
	[tilespmem:$0x18600] =	vst v63  }
0x14: {  	_ =	swait.ge [sflag:s3], $0x600  }
0x15: {  	[sflag:s3] =	ssyncset.done $0x0  }
0x16: {  	[sflag:s3] =	ssyncadd.s32 $0xFFFFFA00  }
0x17: {  	[tilespmem:s5], [sflag:$0x1] =	stream.indirect.gather [hbm4b:s6+s8], $0x40, s2, s8, $0xb8;
	[tilespmem:$0x18600] =	vst v63  }
0x18: {  	_ = 	snop  }
0x19: {  	[tilespmem:s9], [sflag:$0x1] =	stream.indirect.gather [hbm4b:s6+s8], $0x40, s8, s8, $0xb8;
	[tilespmem:$0x18600] =	vst v63  }
0x1a: {  	_ = 	snop  }
0x1b: {  	[tilespmem:s11], [sflag:$0x1] =	stream.indirect.gather [hbm4b:s6+s8], $0x40, s10, s8, $0xb8;
	[tilespmem:$0x18600] =	vst v63  }
0x1c: {  	_ = 	snop  }
0x1d: {  	[tilespmem:s13], [sflag:$0x1] =	stream.indirect.gather [hbm4b:s6+s8], $0x40, s12, s8, $0xb8;
	[tilespmem:$0x18600] =	vst v63  }
0x1e: {  	_ = 	snop  }
0x1f: {  	[tilespmem:s15], [sflag:$0x1] =	stream.indirect.gather [hbm4b:s6+s8], $0x40, s14, s8, $0xb8;
	[tilespmem:$0x18600] =	vst v63  }
0x20: {  	_ = 	snop  }
0x21: {  	[tilespmem:s17], [sflag:$0x1] =	stream.indirect.gather [hbm4b:s6+s8], $0x40, s16, s8, $0xb8;
	[tilespmem:$0x18600] =	vst v63  }
0x22: {  	_ = 	snop  }
0x23: {  	[tilespmem:s19], [sflag:$0x1] =	stream.indirect.gather [hbm4b:s6+s8], $0x40, s18, s8, $0xb8;
	[tilespmem:$0x18600] =	vst v63  }
0x24: {  	_ = 	snop  }
0x25: {  	[tilespmem:s21], [sflag:$0x1] =	stream.indirect.gather [hbm4b:s6+s8], $0x40, s20, s8, $0xb8;
	[tilespmem:$0x18600] =	vst v63  }
0x26: {  	_ = 	snop  }
0x27: {  	[tilespmem:s23], [sflag:$0x1] =	stream.indirect.gather [hbm4b:s6+s8], $0x40, s22, s8, $0xb8;
	[tilespmem:$0x18600] =	vst v63  }
0x28: {  	_ = 	snop  }
0x29: {  	[tilespmem:s25], [sflag:$0x1] =	stream.indirect.gather [hbm4b:s6+s8], $0x40, s24, s8, $0xb8;
	[tilespmem:$0x18600] =	vst v63  }
0x2a: {  	_ = 	snop  }
0x2b: {  	[tilespmem:s28], [sflag:$0x1] =	stream.indirect.gather [hbm4b:s6+s8], $0x40, s26, s8, $0xb8;
	[tilespmem:$0x18600] =	vst v63  }
0x2c: {  	_ = 	snop  }
0x2d: {  	[tilespmem:s30], [sflag:$0x1] =	stream.indirect.gather [hbm4b:s6+s8], $0x40, s29, s8, $0xb8;
	[tilespmem:$0x18600] =	vst v63  }
0x2e: {  	_ =	swait.ge [sflag:s7], $0x2000  }
0x2f: {  	[sflag:s7] =	ssyncset.done $0x0  }
0x30: {  	[sflag:s7] =	ssyncadd.s32 $0xFFFFE000  }
0x31: {  	_ =	swait.ge [sflag:s7], $0x2000  }
0x32: {  	[sflag:s7] =	ssyncset.done $0x0  }
0x33: {  	[sflag:s7] =	ssyncadd.s32 $0xFFFFE000  }
0x34: {  	_ =	swait.ge [sflag:s7], $0x2000  }
0x35: {  	[sflag:s7] =	ssyncset.done $0x0  }
0x36: {  	[sflag:s7] =	ssyncadd.s32 $0xFFFFE000  }
0x37: {  	_ =	swait.ge [sflag:s7], $0x2000  }
0x38: {  	[sflag:s7] =	ssyncset.done $0x0  }
0x39: {  	[sflag:s7] =	ssyncadd.s32 $0xFFFFE000  }
0x3a: {  	_ =	swait.ge [sflag:s7], $0x2000  }
0x3b: {  	[sflag:s7] =	ssyncset.done $0x0  }
0x3c: {  	[sflag:s7] =	ssyncadd.s32 $0xFFFFE000  }
0x3d: {  	_ =	swait.ge [sflag:s7], $0x2000  }
0x3e: {  	[sflag:s7] =	ssyncset.done $0x0  }
0x3f: {  	[sflag:s7] =	ssyncadd.s32 $0xFFFFE000  }
0x40: {  	_ =	swait.ge [sflag:s7], $0x2000  }
0x41: {  	[sflag:s7] =	ssyncset.done $0x0  }
0x42: {  	[sflag:s7] =	ssyncadd.s32 $0xFFFFE000  }
0x43: {  	_ =	swait.ge [sflag:s7], $0x2000  }
0x44: {  	[sflag:s7] =	ssyncset.done $0x0  }
0x45: {  	[sflag:s7] =	ssyncadd.s32 $0xFFFFE000  }
0x46: {  	_ =	swait.ge [sflag:s7], $0x2000  }
0x47: {  	[sflag:s7] =	ssyncset.done $0x0  }
0x48: {  	[sflag:s7] =	ssyncadd.s32 $0xFFFFE000  }
0x49: {  	_ =	swait.ge [sflag:s7], $0x2000  }
0x4a: {  	[sflag:s7] =	ssyncset.done $0x0  }
0x4b: {  	[sflag:s7] =	ssyncadd.s32 $0xFFFFE000  }
0x4c: {  	_ =	swait.ge [sflag:s7], $0x2000  }
0x4d: {  	[sflag:s7] =	ssyncset.done $0x0  }
0x4e: {  	[sflag:s7] =	ssyncadd.s32 $0xFFFFE000  }
0x4f: {  	p1 =	sne.s32 s31, $0x1;
	_ =	swait.ge [sflag:s7], $0x2000  }
.Ltmp1:
0x50: {  	[sflag:s7] =	ssyncset.done $0x0;
	(pc) =	sbr.rel @!p1 .LBB2_3-.Ltmp1, $4  }
0x51: {  	[sflag:s7] =	ssyncadd.s32 $0xFFFFE000  }
0x52: {  	[hbm4b:s4+s2] =	stream.linear.scatter [tilespmem:s5], [sflag:$0x2], $0x18000, $0x38;
	[tilespmem:$0x18600] =	vst v63  }
0x53: {  	s31 =	sadd.s32 $0xFFFFFFFF, s31;
	_ =	swait.ge [sflag:s3], $0x18000  }
0x54: {  	p0 =	por $0x1, $0x1;
	s1 =	rddreg [dreg:$0x3];
	[sflag:s3] =	ssyncset.done $0x0  }
.LBB2_2:
0x55: {  	[sflag:s3] =	ssyncadd.s32 $0xFFFE8000  }
0x56: {  	[tilespmem:s2], [sflag:$0x2] =	stream.linear.gather [hbm4b:s1+s2], $0x600, $0x38;
	[tilespmem:$0x18600] =	vst v63  }
0x57: {  	_ =	swait.ge [sflag:s3], $0x600  }
0x58: {  	[sflag:s3] =	ssyncset.done $0x0  }
0x59: {  	[sflag:s3] =	ssyncadd.s32 $0xFFFFFA00  }
0x5a: {  	[tilespmem:s5], [sflag:$0x1] =	stream.indirect.gather [hbm4b:s6+s8], $0x40, s2, s8, $0xb8;
	[tilespmem:$0x18600] =	vst v63  }
0x5b: {  	_ = 	snop  }
0x5c: {  	[tilespmem:s9], [sflag:$0x1] =	stream.indirect.gather [hbm4b:s6+s8], $0x40, s8, s8, $0xb8;
	[tilespmem:$0x18600] =	vst v63  }
0x5d: {  	_ = 	snop  }
0x5e: {  	[tilespmem:s11], [sflag:$0x1] =	stream.indirect.gather [hbm4b:s6+s8], $0x40, s10, s8, $0xb8;
	[tilespmem:$0x18600] =	vst v63  }
0x5f: {  	_ = 	snop  }
0x60: {  	[tilespmem:s13], [sflag:$0x1] =	stream.indirect.gather [hbm4b:s6+s8], $0x40, s12, s8, $0xb8;
	[tilespmem:$0x18600] =	vst v63  }
0x61: {  	_ = 	snop  }
0x62: {  	[tilespmem:s15], [sflag:$0x1] =	stream.indirect.gather [hbm4b:s6+s8], $0x40, s14, s8, $0xb8;
	[tilespmem:$0x18600] =	vst v63  }
0x63: {  	_ = 	snop  }
0x64: {  	[tilespmem:s17], [sflag:$0x1] =	stream.indirect.gather [hbm4b:s6+s8], $0x40, s16, s8, $0xb8;
	[tilespmem:$0x18600] =	vst v63  }
0x65: {  	_ = 	snop  }
0x66: {  	[tilespmem:s19], [sflag:$0x1] =	stream.indirect.gather [hbm4b:s6+s8], $0x40, s18, s8, $0xb8;
	[tilespmem:$0x18600] =	vst v63  }
0x67: {  	_ = 	snop  }
0x68: {  	[tilespmem:s21], [sflag:$0x1] =	stream.indirect.gather [hbm4b:s6+s8], $0x40, s20, s8, $0xb8;
	[tilespmem:$0x18600] =	vst v63  }
0x69: {  	_ = 	snop  }
0x6a: {  	[tilespmem:s23], [sflag:$0x1] =	stream.indirect.gather [hbm4b:s6+s8], $0x40, s22, s8, $0xb8;
	[tilespmem:$0x18600] =	vst v63  }
0x6b: {  	_ = 	snop  }
0x6c: {  	[tilespmem:s25], [sflag:$0x1] =	stream.indirect.gather [hbm4b:s6+s8], $0x40, s24, s8, $0xb8;
	[tilespmem:$0x18600] =	vst v63  }
0x6d: {  	_ = 	snop  }
0x6e: {  	[tilespmem:s28], [sflag:$0x1] =	stream.indirect.gather [hbm4b:s6+s8], $0x40, s26, s8, $0xb8;
	[tilespmem:$0x18600] =	vst v63  }
0x6f: {  	_ = 	snop  }
0x70: {  	[tilespmem:s30], [sflag:$0x1] =	stream.indirect.gather [hbm4b:s6+s8], $0x40, s29, s8, $0xb8;
	[tilespmem:$0x18600] =	vst v63  }
0x71: {  	_ =	swait.ge [sflag:s7], $0x2000  }
0x72: {  	[sflag:s7] =	ssyncset.done $0x0  }
0x73: {  	[sflag:s7] =	ssyncadd.s32 $0xFFFFE000  }
0x74: {  	_ =	swait.ge [sflag:s7], $0x2000  }
0x75: {  	[sflag:s7] =	ssyncset.done $0x0  }
0x76: {  	[sflag:s7] =	ssyncadd.s32 $0xFFFFE000  }
0x77: {  	_ =	swait.ge [sflag:s7], $0x2000  }
0x78: {  	[sflag:s7] =	ssyncset.done $0x0  }
0x79: {  	[sflag:s7] =	ssyncadd.s32 $0xFFFFE000  }
0x7a: {  	_ =	swait.ge [sflag:s7], $0x2000  }
0x7b: {  	[sflag:s7] =	ssyncset.done $0x0  }
0x7c: {  	[sflag:s7] =	ssyncadd.s32 $0xFFFFE000  }
0x7d: {  	_ =	swait.ge [sflag:s7], $0x2000  }
0x7e: {  	[sflag:s7] =	ssyncset.done $0x0  }
0x7f: {  	[sflag:s7] =	ssyncadd.s32 $0xFFFFE000  }
0x80: {  	_ =	swait.ge [sflag:s7], $0x2000  }
0x81: {  	[sflag:s7] =	ssyncset.done $0x0  }
0x82: {  	[sflag:s7] =	ssyncadd.s32 $0xFFFFE000  }
0x83: {  	_ =	swait.ge [sflag:s7], $0x2000  }
0x84: {  	[sflag:s7] =	ssyncset.done $0x0  }
0x85: {  	[sflag:s7] =	ssyncadd.s32 $0xFFFFE000  }
0x86: {  	_ =	swait.ge [sflag:s7], $0x2000  }
0x87: {  	[sflag:s7] =	ssyncset.done $0x0  }
0x88: {  	[sflag:s7] =	ssyncadd.s32 $0xFFFFE000  }
0x89: {  	_ =	swait.ge [sflag:s7], $0x2000  }
0x8a: {  	[sflag:s7] =	ssyncset.done $0x0  }
0x8b: {  	[sflag:s7] =	ssyncadd.s32 $0xFFFFE000  }
0x8c: {  	_ =	swait.ge [sflag:s7], $0x2000  }
0x8d: {  	[sflag:s7] =	ssyncset.done $0x0  }
0x8e: {  	[sflag:s7] =	ssyncadd.s32 $0xFFFFE000  }
0x8f: {  	_ =	swait.ge [sflag:s7], $0x2000  }
0x90: {  	[sflag:s7] =	ssyncset.done $0x0  }
0x91: {  	[sflag:s7] =	ssyncadd.s32 $0xFFFFE000  }
0x92: {  	p1 =	sne.s32 s31, $0x1;
	_ =	swait.ge [sflag:s7], $0x2000  }
.Ltmp2:
0x93: {  	[sflag:s7] =	ssyncset.done $0x0;
	(pc) =	sbr.rel @p1 .LBB2_2-.Ltmp2, $4  }
0x94: {  	[sflag:s7] =	ssyncadd.s32 $0xFFFFE000  }
0x95: {  	[hbm4b:s4+s2] =	stream.linear.scatter [tilespmem:s5], [sflag:$0x2], $0x18000, $0x38;
	[tilespmem:$0x18600] =	vst v63  }
0x96: {  	_ =	swait.ge [sflag:s3], $0x18000  }
0x97: {  	s31 =	sadd.s32 $0xFFFFFFFF, s31;
	s1 =	rddreg [dreg:$0x3];
	[sflag:s3] =	ssyncset.done $0x0  }
.LBB2_3:
0x98: {  	[sflag:s3] =	ssyncadd.s32 @p0 $0xFFFE8000  }
0x99: {  	[tilespmem:s2], [sflag:$0x2] =	stream.linear.gather [hbm4b:s1+s2], $0x600, $0x38;
	[tilespmem:$0x18600] =	vst v63  }
0x9a: {  	_ =	swait.ge [sflag:s3], $0x600  }
0x9b: {  	[sflag:s3] =	ssyncset.done $0x0  }
0x9c: {  	[sflag:s3] =	ssyncadd.s32 $0xFFFFFA00  }
0x9d: {  	[tilespmem:s5], [sflag:$0x1] =	stream.indirect.gather [hbm4b:s6+s8], $0x40, s2, s8, $0xb8;
	[tilespmem:$0x18600] =	vst v63  }
0x9e: {  	_ = 	snop  }
0x9f: {  	[tilespmem:s9], [sflag:$0x1] =	stream.indirect.gather [hbm4b:s6+s8], $0x40, s8, s8, $0xb8;
	[tilespmem:$0x18600] =	vst v63  }
0xa0: {  	_ = 	snop  }
0xa1: {  	[tilespmem:s11], [sflag:$0x1] =	stream.indirect.gather [hbm4b:s6+s8], $0x40, s10, s8, $0xb8;
	[tilespmem:$0x18600] =	vst v63  }
0xa2: {  	_ = 	snop  }
0xa3: {  	[tilespmem:s13], [sflag:$0x1] =	stream.indirect.gather [hbm4b:s6+s8], $0x40, s12, s8, $0xb8;
	[tilespmem:$0x18600] =	vst v63  }
0xa4: {  	_ = 	snop  }
0xa5: {  	[tilespmem:s15], [sflag:$0x1] =	stream.indirect.gather [hbm4b:s6+s8], $0x40, s14, s8, $0xb8;
	[tilespmem:$0x18600] =	vst v63  }
0xa6: {  	_ = 	snop  }
0xa7: {  	[tilespmem:s17], [sflag:$0x1] =	stream.indirect.gather [hbm4b:s6+s8], $0x40, s16, s8, $0xb8;
	[tilespmem:$0x18600] =	vst v63  }
0xa8: {  	_ = 	snop  }
0xa9: {  	[tilespmem:s19], [sflag:$0x1] =	stream.indirect.gather [hbm4b:s6+s8], $0x40, s18, s8, $0xb8;
	[tilespmem:$0x18600] =	vst v63  }
0xaa: {  	_ = 	snop  }
0xab: {  	[tilespmem:s21], [sflag:$0x1] =	stream.indirect.gather [hbm4b:s6+s8], $0x40, s20, s8, $0xb8;
	[tilespmem:$0x18600] =	vst v63  }
0xac: {  	_ = 	snop  }
0xad: {  	[tilespmem:s23], [sflag:$0x1] =	stream.indirect.gather [hbm4b:s6+s8], $0x40, s22, s8, $0xb8;
	[tilespmem:$0x18600] =	vst v63  }
0xae: {  	_ = 	snop  }
0xaf: {  	[tilespmem:s25], [sflag:$0x1] =	stream.indirect.gather [hbm4b:s6+s8], $0x40, s24, s8, $0xb8;
	[tilespmem:$0x18600] =	vst v63  }
0xb0: {  	_ = 	snop  }
0xb1: {  	[tilespmem:s28], [sflag:$0x1] =	stream.indirect.gather [hbm4b:s6+s8], $0x40, s26, s8, $0xb8;
	[tilespmem:$0x18600] =	vst v63  }
0xb2: {  	_ = 	snop  }
0xb3: {  	[tilespmem:s30], [sflag:$0x1] =	stream.indirect.gather [hbm4b:s6+s8], $0x40, s29, s8, $0xb8;
	[tilespmem:$0x18600] =	vst v63  }
0xb4: {  	_ =	swait.ge [sflag:s7], $0x2000  }
0xb5: {  	[sflag:s7] =	ssyncset.done $0x0  }
0xb6: {  	[sflag:s7] =	ssyncadd.s32 $0xFFFFE000  }
0xb7: {  	_ =	swait.ge [sflag:s7], $0x2000  }
0xb8: {  	[sflag:s7] =	ssyncset.done $0x0  }
0xb9: {  	[sflag:s7] =	ssyncadd.s32 $0xFFFFE000  }
0xba: {  	_ =	swait.ge [sflag:s7], $0x2000  }
0xbb: {  	[sflag:s7] =	ssyncset.done $0x0  }
0xbc: {  	[sflag:s7] =	ssyncadd.s32 $0xFFFFE000  }
0xbd: {  	_ =	swait.ge [sflag:s7], $0x2000  }
0xbe: {  	[sflag:s7] =	ssyncset.done $0x0  }
0xbf: {  	[sflag:s7] =	ssyncadd.s32 $0xFFFFE000  }
0xc0: {  	_ =	swait.ge [sflag:s7], $0x2000  }
0xc1: {  	[sflag:s7] =	ssyncset.done $0x0  }
0xc2: {  	[sflag:s7] =	ssyncadd.s32 $0xFFFFE000  }
0xc3: {  	_ =	swait.ge [sflag:s7], $0x2000  }
0xc4: {  	[sflag:s7] =	ssyncset.done $0x0  }
0xc5: {  	[sflag:s7] =	ssyncadd.s32 $0xFFFFE000  }
0xc6: {  	_ =	swait.ge [sflag:s7], $0x2000  }
0xc7: {  	[sflag:s7] =	ssyncset.done $0x0  }
0xc8: {  	[sflag:s7] =	ssyncadd.s32 $0xFFFFE000  }
0xc9: {  	_ =	swait.ge [sflag:s7], $0x2000  }
0xca: {  	[sflag:s7] =	ssyncset.done $0x0  }
0xcb: {  	[sflag:s7] =	ssyncadd.s32 $0xFFFFE000  }
0xcc: {  	_ =	swait.ge [sflag:s7], $0x2000  }
0xcd: {  	[sflag:s7] =	ssyncset.done $0x0  }
0xce: {  	[sflag:s7] =	ssyncadd.s32 $0xFFFFE000  }
0xcf: {  	_ =	swait.ge [sflag:s7], $0x2000  }
0xd0: {  	[sflag:s7] =	ssyncset.done $0x0  }
0xd1: {  	[sflag:s7] =	ssyncadd.s32 $0xFFFFE000  }
0xd2: {  	_ =	swait.ge [sflag:s7], $0x2000  }
0xd3: {  	[sflag:s7] =	ssyncset.done $0x0  }
0xd4: {  	[sflag:s7] =	ssyncadd.s32 $0xFFFFE000  }
0xd5: {  	_ =	swait.ge [sflag:s7], $0x2000  }
0xd6: {  	[sflag:s7] =	ssyncset.done $0x0  }
0xd7: {  	[sflag:s7] =	ssyncadd.s32 $0xFFFFE000  }
0xd8: {  	[hbm4b:s4+s2] =	stream.linear.scatter [tilespmem:s5], [sflag:$0x2], $0x18000, $0x38;
	[tilespmem:$0x18600] =	vst v63  }
0xd9: {  	_ =	swait.ge [sflag:s3], $0x18000  }
0xda: {  	[sflag:s3] =	ssyncset.done $0x0  }
0xdb: {  	[sflag:s3] =	ssyncadd.s32 $0xFFFE8000  }
0xdc: {  	_ =	sfence.sel $0x180000  }
0xdd: {  	[bflag:$0x0] =	sbarrier.arrive $0xFFFF  }
0xde: {  	_ =	strace $0x9000004A  }
0xdf: {  	[bflag:$0x2] =	sbarrier.arrive $0xFFFF  }
0xe0: {  	p0 =	sne.s32 s0, $0x0;
	s0 =	rddreg [dreg:$0x2]  }
0xe1: {  	s0 =	sadd.s32 @!p0 $0x100000, s0  }
0xe2: {  	[sflag:s0] =	ssyncadd.tile.s32 @!p0 $0x1;
	_ =	shalt  }
.Lfunc_end2:
_tile_overlayer_lowered:
.L_overlay_start_2:
0xe3: {  	(tag) =	ssettag $0x2  }
0xe4: {  	s0 =	rddreg [dreg:$0x0];
	s2 =	stileid.u32  }
0xe5: {  	s1 =	rddreg [dreg:$0x1];
	p0 =	sne.s32 s2, $0x0  }
0xe6: {  	s3 =	rddreg [dreg:$0x2];
	[bflag:$0x3] =	sbarrier.arrive $0xFFFF;
	s2 =	simm.s32 @!p0 $0x1C02  }
0xe7: {  	[timem:s3], [sflag:s2] =	dma.local @!p0 [hbm:s0], s1  }
0xe8: {  	s0 =	simm.s32 @!p0 $0x2  }
0xe9: {  	_ =	swait.ge @!p0 [sflag:s0], s1  }
0xea: {  	s1 =	ssub.s32 @!p0 $0x0, s1;
	[sflag:s0] =	ssyncset.done @!p0 $0x0  }
0xeb: {  	[sflag:s0] =	ssyncadd.s32 @!p0 s1  }
0xec: {  	[bflag:$0x3] =	sbarrier.arrive $0xFFFF  }
0xed: {  	_ =	shalt  }

</sc_bundles>
